<compile_context>
chip_gen: v7x
topology: tpu7x:2x2x1
jax: 0.10.2.dev20260603
libtpu: 0.0.44.dev20260713+nightly
codegen_flags: <defaults>
</compile_context>

<pallas_src>
import functools

import jax
import jax.numpy as jnp
from jax import lax
from jax.experimental import pallas as pl
from jax.experimental.pallas import tpu as pltpu
from jax.experimental.pallas import tpu_sc as plsc

N = 320000
D = 128
C = 10000
B = 80
NBLK = N // B
NC = 2
NS = 16
NW = NC * NS
FULL = NBLK // NW
EXTRA = NBLK % NW
TILE_SHARE = 624
TAIL_ROWS = C - NS * TILE_SHARE


def _count_chunks(ib, cnt):
  for k in range(B // 16):
    ids = ib[pl.ds(k * 16, 16)]
    run, last = plsc.scan_count(ids)
    plsc.addupdate_scatter(cnt, [ids], run.astype(jnp.float32), mask=last)


def _sc_body(x_hbm, sl_hbm, z64_hbm, psums, pcnts,
             sums_s, xb0, xb1, xb2, ib0, ib1, ib2, cnt,
             sx0, sx1, sx2, si0, si1, si2, ss0, ss1, ss2):
  cid = lax.axis_index("c")
  sid = lax.axis_index("s")
  wid = sid * NC + cid
  nvalid = jnp.where(wid < EXTRA, FULL + 1, FULL)
  xbs = (xb0, xb1, xb2)
  ibs = (ib0, ib1, ib2)
  sxs = (sx0, sx1, sx2)
  sis = (si0, si1, si2)
  sss = (ss0, ss1, ss2)

  def start_in(blk, p):
    off = pl.multiple_of(blk * B, B)
    pltpu.async_copy(x_hbm.at[pl.ds(off, B)], xbs[p], sxs[p])
    pltpu.async_copy(sl_hbm.at[pl.ds(off, B)], ibs[p], sis[p])

  def wait_in(p):
    pltpu.make_async_copy(x_hbm.at[pl.ds(0, B)], xbs[p], sxs[p]).wait()
    pltpu.make_async_copy(sl_hbm.at[pl.ds(0, B)], ibs[p], sis[p]).wait()

  def wait_scat(p):
    pltpu.make_async_copy(xbs[p], sums_s.at[ibs[p]], sss[p]).wait()

  start_in(wid, 0)
  start_in(wid + NW, 1)

  pltpu.sync_copy(z64_hbm, xb2)
  base = pl.multiple_of(sid * TILE_SHARE, 8)
  for k in range(640 // B):
    off = pl.multiple_of(base + k * B, 8)
    pltpu.sync_copy(xb2, sums_s.at[pl.ds(off, B)])

  def zero_cnt(i, _):
    cnt[pl.ds(i * 16, 16)] = jnp.zeros((16,), jnp.float32)
    return 0
  lax.fori_loop(0, C // 16, zero_cnt, 0)

  plsc.subcore_barrier()

  def step(t, _):
    for par in range(3):
      j = 3 * t + par
      wait_in(par)
      pltpu.async_copy(xbs[par], sums_s.at[ibs[par]], sss[par], add=True)
      pb = (par + 2) % 3
      if par == 0:
        @pl.when(t > 0)
        def _():
          wait_scat(pb)
      else:
        wait_scat(pb)

      nxt = j + 2

      @pl.when(nxt < nvalid)
      def _():
        start_in(nxt * NW + wid, pb)

      _count_chunks(ibs[par], cnt)
    return 0
  lax.fori_loop(0, FULL // 3, step, 0)

  for par in (0, 1):
    j = (FULL // 3) * 3 + par
    wait_in(par)
    pltpu.async_copy(xbs[par], sums_s.at[ibs[par]], sss[par], add=True)
    _count_chunks(ibs[par], cnt)

  wait_scat(2)
  wait_scat(0)
  wait_scat(1)

  plsc.subcore_barrier()

  pltpu.sync_copy(sums_s.at[pl.ds(base, TILE_SHARE)],
                  psums.at[cid, pl.ds(base, TILE_SHARE)])

  @pl.when(sid == NS - 1)
  def _():
    pltpu.sync_copy(sums_s.at[pl.ds(NS * TILE_SHARE, TAIL_ROWS)],
                    psums.at[cid, pl.ds(NS * TILE_SHARE, TAIL_ROWS)])

  cof = pl.multiple_of(wid * C, 8)
  pltpu.sync_copy(cnt, pcnts.at[pl.ds(cof, C)])


_sc_stage = functools.partial(
    pl.kernel,
    out_type=(jax.ShapeDtypeStruct((NC, C, D), jnp.float32),
              jax.ShapeDtypeStruct((NW * C,), jnp.float32)),
    mesh=plsc.VectorSubcoreMesh(core_axis_name="c", subcore_axis_name="s"),
    compiler_params=pltpu.CompilerParams(needs_layout_passes=False),
    scratch_types=(
        pltpu.VMEM_SHARED((C, D), jnp.float32),
        pltpu.VMEM((B, D), jnp.float32),
        pltpu.VMEM((B, D), jnp.float32),
        pltpu.VMEM((B, D), jnp.float32),
        pltpu.VMEM((B,), jnp.int32),
        pltpu.VMEM((B,), jnp.int32),
        pltpu.VMEM((B,), jnp.int32),
        pltpu.VMEM((C,), jnp.float32),
        pltpu.SemaphoreType.DMA,
        pltpu.SemaphoreType.DMA,
        pltpu.SemaphoreType.DMA,
        pltpu.SemaphoreType.DMA,
        pltpu.SemaphoreType.DMA,
        pltpu.SemaphoreType.DMA,
        pltpu.SemaphoreType.DMA,
        pltpu.SemaphoreType.DMA,
        pltpu.SemaphoreType.DMA,
    ),
)(_sc_body)


def _div_body(ps_ref, pc_ref, out_ref):
  s = ps_ref[0] + ps_ref[1]
  n = jnp.sum(pc_ref[...], axis=0)
  out_ref[...] = s / n[:, None]


def kernel(x, sl):
  sl32 = sl.astype(jnp.int32)
  z64 = jnp.zeros((B, D), jnp.float32)
  psums, pcnts = _sc_stage(x, sl32, z64)
  out = pl.pallas_call(
      _div_body,
      out_shape=jax.ShapeDtypeStruct((C, D), jnp.float32),
  )(psums, pcnts.reshape(NW, C))
  return out

# --- scband reference (transcript-rebuilt; emitter-appended) ---
"""Pipeline reference for scband-pool-clusters-14139032339209 (READ-ONLY COPY).

The authoritative reference and input builder live on the scoring server;
editing this copy changes nothing except your own understanding.
"""

import jax, jax.numpy as jnp
import numpy as np

N = 320000
D = 128
NUM_CLUSTERS = 10000


def setup_inputs(seed: int = 0) -> dict:
    key = jax.random.key(seed)
    kx, ks = jax.random.split(key)
    x = jax.random.normal(kx, (N, D), dtype=jnp.float32)
    sl = jnp.sort(jax.random.randint(ks, (N,), 0, NUM_CLUSTERS, dtype=jnp.int64))
    return {"x": x, "sl": sl}


def reference(x, sl):
    # torch.unique returns sorted unique cluster ids; output rows are the mean
    # of x rows belonging to each cluster, in ascending cluster-id order.
    clusters = jnp.unique(sl, size=NUM_CLUSTERS)
    num = clusters.shape[0]
    # map each element's cluster id to its index within the sorted unique ids
    seg = jnp.searchsorted(clusters, sl)
    sums = jax.ops.segment_sum(x, seg, num_segments=num)
    counts = jax.ops.segment_sum(jnp.ones((x.shape[0],), dtype=x.dtype), seg, num_segments=num)
    out = sums / counts[:, None]
    return out

if __name__ == "__main__":
    import jax
    _d = setup_inputs()
    print(jax.jit(kernel)(*tuple(_d.values())))

</pallas_src>

<mosaic_0001>
#map = affine_map<(d0, d1) -> (0, 0)>
#map1 = affine_map<(d0, d1) -> (0)>
#map2 = affine_map<(d0, d1) -> (0, 0, 0)>
module attributes {stable_mosaic.version = 14 : i64} {
  func.func @_sc_body(%arg0: i32, %arg1: i32, %arg2: memref<320000x128xf32, #tpu.memory_space<hbm>>, %arg3: memref<320000xi32, #tpu.memory_space<hbm>>, %arg4: memref<80x128xf32, #tpu.memory_space<hbm>>, %arg5: memref<2x10000x128xf32, #tpu.memory_space<hbm>>, %arg6: memref<320000xf32, #tpu.memory_space<hbm>>, %arg7: memref<10000x128xf32, #tpu.memory_space<vmem_shared>>, %arg8: memref<80x128xf32, #tpu.memory_space<vmem>>, %arg9: memref<80x128xf32, #tpu.memory_space<vmem>>, %arg10: memref<80x128xf32, #tpu.memory_space<vmem>>, %arg11: memref<80xi32, #tpu.memory_space<vmem>>, %arg12: memref<80xi32, #tpu.memory_space<vmem>>, %arg13: memref<80xi32, #tpu.memory_space<vmem>>, %arg14: memref<10000xf32, #tpu.memory_space<vmem>>, %arg15: memref<!tpu.dma_semaphore, #tpu.memory_space<semaphore_mem>>, %arg16: memref<!tpu.dma_semaphore, #tpu.memory_space<semaphore_mem>>, %arg17: memref<!tpu.dma_semaphore, #tpu.memory_space<semaphore_mem>>, %arg18: memref<!tpu.dma_semaphore, #tpu.memory_space<semaphore_mem>>, %arg19: memref<!tpu.dma_semaphore, #tpu.memory_space<semaphore_mem>>, %arg20: memref<!tpu.dma_semaphore, #tpu.memory_space<semaphore_mem>>, %arg21: memref<!tpu.dma_semaphore, #tpu.memory_space<semaphore_mem>>, %arg22: memref<!tpu.dma_semaphore, #tpu.memory_space<semaphore_mem>>, %arg23: memref<!tpu.dma_semaphore, #tpu.memory_space<semaphore_mem>>) attributes {dimension_semantics = [#tpu.dimension_semantics<core_parallel>, #tpu.dimension_semantics<subcore_parallel>], iteration_bounds = array<i64: 2, 16>, scalar_prefetch = 0 : i64, scratch_operands = 17 : i64, tpu.core_type = #tpu.core_type<sc_vector_subcore>, window_params = [{transform_indices = #map}, {transform_indices = #map1}, {transform_indices = #map}, {transform_indices = #map2}, {transform_indices = #map1}]} {
    %mul3A = arith.constant 2 : i32
    %mul3A_0 = arith.muli %arg1, %mul3A : i32
    %add3A = arith.addi %mul3A_0, %arg0 : i32
    %lt3A = arith.constant 0 : i32
    %lt3A_1 = arith.cmpi slt, %add3A, %lt3A : i32
    %jit3A = arith.constant 126 : i32
    %jit3A_2 = arith.constant 125 : i32
    %select_n3A = arith.select %lt3A_1, %jit3A, %jit3A_2 : i32
    %mul3A_3 = arith.constant 80 : i32
    %mul3A_4 = arith.muli %add3A, %mul3A_3 : i32
    %multiple_of3A = tpu.assume_multiple %mul3A_4, 80 : i32
    %dma_start3A = arith.constant 0 : i32
    %dma_start3A_5 = tpu.memref_slice %arg2[%multiple_of3A, %dma_start3A] : memref<320000x128xf32, #tpu.memory_space<hbm>> -> memref<80x128xf32, #tpu.memory_space<hbm>>
    %dma_start3A_6 = arith.constant 0 : i32
    %dma_start3A_7 = tpu.memref_slice %arg2[%multiple_of3A, %dma_start3A_6] : memref<320000x128xf32, #tpu.memory_space<hbm>> -> memref<80x128xf32, #tpu.memory_space<hbm>>
    tpu.enqueue_dma source(%dma_start3A_7 : memref<80x128xf32, #tpu.memory_space<hbm>>) target(%arg8 : memref<80x128xf32, #tpu.memory_space<vmem>>) target_semaphore(%arg15 : memref<!tpu.dma_semaphore, #tpu.memory_space<semaphore_mem>>)
    %dma_start3A_8 = tpu.memref_slice %arg3[%multiple_of3A] : memref<320000xi32, #tpu.memory_space<hbm>> -> memref<80xi32, #tpu.memory_space<hbm>>
    %dma_start3A_9 = tpu.memref_slice %arg3[%multiple_of3A] : memref<320000xi32, #tpu.memory_space<hbm>> -> memref<80xi32, #tpu.memory_space<hbm>>
    tpu.enqueue_dma source(%dma_start3A_9 : memref<80xi32, #tpu.memory_space<hbm>>) target(%arg11 : memref<80xi32, #tpu.memory_space<vmem>>) target_semaphore(%arg18 : memref<!tpu.dma_semaphore, #tpu.memory_space<semaphore_mem>>)
    %add3A_10 = arith.constant 32 : i32
    %add3A_11 = arith.addi %add3A, %add3A_10 : i32
    %mul3A_12 = arith.constant 80 : i32
    %mul3A_13 = arith.muli %add3A_11, %mul3A_12 : i32
    %multiple_of3A_14 = tpu.assume_multiple %mul3A_13, 80 : i32
    %dma_start3A_15 = arith.constant 0 : i32
    %dma_start3A_16 = tpu.memref_slice %arg2[%multiple_of3A_14, %dma_start3A_15] : memref<320000x128xf32, #tpu.memory_space<hbm>> -> memref<80x128xf32, #tpu.memory_space<hbm>>
    %dma_start3A_17 = arith.constant 0 : i32
    %dma_start3A_18 = tpu.memref_slice %arg2[%multiple_of3A_14, %dma_start3A_17] : memref<320000x128xf32, #tpu.memory_space<hbm>> -> memref<80x128xf32, #tpu.memory_space<hbm>>
    tpu.enqueue_dma source(%dma_start3A_18 : memref<80x128xf32, #tpu.memory_space<hbm>>) target(%arg9 : memref<80x128xf32, #tpu.memory_space<vmem>>) target_semaphore(%arg16 : memref<!tpu.dma_semaphore, #tpu.memory_space<semaphore_mem>>)
    %dma_start3A_19 = tpu.memref_slice %arg3[%multiple_of3A_14] : memref<320000xi32, #tpu.memory_space<hbm>> -> memref<80xi32, #tpu.memory_space<hbm>>
    %dma_start3A_20 = tpu.memref_slice %arg3[%multiple_of3A_14] : memref<320000xi32, #tpu.memory_space<hbm>> -> memref<80xi32, #tpu.memory_space<hbm>>
    tpu.enqueue_dma source(%dma_start3A_20 : memref<80xi32, #tpu.memory_space<hbm>>) target(%arg12 : memref<80xi32, #tpu.memory_space<vmem>>) target_semaphore(%arg19 : memref<!tpu.dma_semaphore, #tpu.memory_space<semaphore_mem>>)
    "tpu.region"() ({
      %run_scoped3A = tpu.sem_alloc : memref<!tpu.dma_semaphore, #tpu.memory_space<semaphore_mem>>
      tpu.enqueue_dma source(%arg4 : memref<80x128xf32, #tpu.memory_space<hbm>>) target(%arg10 : memref<80x128xf32, #tpu.memory_space<vmem>>) target_semaphore(%run_scoped3A : memref<!tpu.dma_semaphore, #tpu.memory_space<semaphore_mem>>)
      tpu.wait_dma2 semaphore(%run_scoped3A : memref<!tpu.dma_semaphore, #tpu.memory_space<semaphore_mem>>) src(%arg4 : memref<80x128xf32, #tpu.memory_space<hbm>>) dst(%arg10 : memref<80x128xf32, #tpu.memory_space<vmem>>)
      tpu.yield
    }) : () -> ()
    %mul3A_21 = arith.constant 624 : i32
    %mul3A_22 = arith.muli %arg1, %mul3A_21 : i32
    %multiple_of3A_23 = tpu.assume_multiple %mul3A_22, 8 : i32
    %add3A_24 = arith.constant 0 : i32
    %add3A_25 = arith.addi %multiple_of3A_23, %add3A_24 : i32
    %multiple_of3A_26 = tpu.assume_multiple %add3A_25, 8 : i32
    "tpu.region"() ({
      %run_scoped3A = tpu.sem_alloc : memref<!tpu.dma_semaphore, #tpu.memory_space<semaphore_mem>>
      %dma_start3A_168 = arith.constant 0 : i32
      %dma_start3A_169 = tpu.memref_slice %arg7[%multiple_of3A_26, %dma_start3A_168] : memref<10000x128xf32, #tpu.memory_space<vmem_shared>> -> memref<80x128xf32, #tpu.memory_space<vmem_shared>>
      %dma_start3A_170 = arith.constant 0 : i32
      %dma_start3A_171 = tpu.memref_slice %arg7[%multiple_of3A_26, %dma_start3A_170] : memref<10000x128xf32, #tpu.memory_space<vmem_shared>> -> memref<80x128xf32, #tpu.memory_space<vmem_shared>>
      tpu.enqueue_dma source(%arg10 : memref<80x128xf32, #tpu.memory_space<vmem>>) target(%dma_start3A_171 : memref<80x128xf32, #tpu.memory_space<vmem_shared>>) target_semaphore(%run_scoped3A : memref<!tpu.dma_semaphore, #tpu.memory_space<semaphore_mem>>)
      %dma_wait3A_172 = arith.constant 0 : i32
      %dma_wait3A_173 = tpu.memref_slice %arg7[%multiple_of3A_26, %dma_wait3A_172] : memref<10000x128xf32, #tpu.memory_space<vmem_shared>> -> memref<80x128xf32, #tpu.memory_space<vmem_shared>>
      %dma_wait3A_174 = arith.constant 0 : i32
      %dma_wait3A_175 = tpu.memref_slice %arg7[%multiple_of3A_26, %dma_wait3A_174] : memref<10000x128xf32, #tpu.memory_space<vmem_shared>> -> memref<80x128xf32, #tpu.memory_space<vmem_shared>>
      tpu.wait_dma2 semaphore(%run_scoped3A : memref<!tpu.dma_semaphore, #tpu.memory_space<semaphore_mem>>) src(%arg10 : memref<80x128xf32, #tpu.memory_space<vmem>>) dst(%dma_wait3A_175 : memref<80x128xf32, #tpu.memory_space<vmem_shared>>)
      tpu.yield
    }) : () -> ()
    %add3A_27 = arith.constant 80 : i32
    %add3A_28 = arith.addi %multiple_of3A_23, %add3A_27 : i32
    %multiple_of3A_29 = tpu.assume_multiple %add3A_28, 8 : i32
    "tpu.region"() ({
      %run_scoped3A = tpu.sem_alloc : memref<!tpu.dma_semaphore, #tpu.memory_space<semaphore_mem>>
      %dma_start3A_168 = arith.constant 0 : i32
      %dma_start3A_169 = tpu.memref_slice %arg7[%multiple_of3A_29, %dma_start3A_168] : memref<10000x128xf32, #tpu.memory_space<vmem_shared>> -> memref<80x128xf32, #tpu.memory_space<vmem_shared>>
      %dma_start3A_170 = arith.constant 0 : i32
      %dma_start3A_171 = tpu.memref_slice %arg7[%multiple_of3A_29, %dma_start3A_170] : memref<10000x128xf32, #tpu.memory_space<vmem_shared>> -> memref<80x128xf32, #tpu.memory_space<vmem_shared>>
      tpu.enqueue_dma source(%arg10 : memref<80x128xf32, #tpu.memory_space<vmem>>) target(%dma_start3A_171 : memref<80x128xf32, #tpu.memory_space<vmem_shared>>) target_semaphore(%run_scoped3A : memref<!tpu.dma_semaphore, #tpu.memory_space<semaphore_mem>>)
      %dma_wait3A_172 = arith.constant 0 : i32
      %dma_wait3A_173 = tpu.memref_slice %arg7[%multiple_of3A_29, %dma_wait3A_172] : memref<10000x128xf32, #tpu.memory_space<vmem_shared>> -> memref<80x128xf32, #tpu.memory_space<vmem_shared>>
      %dma_wait3A_174 = arith.constant 0 : i32
      %dma_wait3A_175 = tpu.memref_slice %arg7[%multiple_of3A_29, %dma_wait3A_174] : memref<10000x128xf32, #tpu.memory_space<vmem_shared>> -> memref<80x128xf32, #tpu.memory_space<vmem_shared>>
      tpu.wait_dma2 semaphore(%run_scoped3A : memref<!tpu.dma_semaphore, #tpu.memory_space<semaphore_mem>>) src(%arg10 : memref<80x128xf32, #tpu.memory_space<vmem>>) dst(%dma_wait3A_175 : memref<80x128xf32, #tpu.memory_space<vmem_shared>>)
      tpu.yield
    }) : () -> ()
    %add3A_30 = arith.constant 160 : i32
    %add3A_31 = arith.addi %multiple_of3A_23, %add3A_30 : i32
    %multiple_of3A_32 = tpu.assume_multiple %add3A_31, 8 : i32
    "tpu.region"() ({
      %run_scoped3A = tpu.sem_alloc : memref<!tpu.dma_semaphore, #tpu.memory_space<semaphore_mem>>
      %dma_start3A_168 = arith.constant 0 : i32
      %dma_start3A_169 = tpu.memref_slice %arg7[%multiple_of3A_32, %dma_start3A_168] : memref<10000x128xf32, #tpu.memory_space<vmem_shared>> -> memref<80x128xf32, #tpu.memory_space<vmem_shared>>
      %dma_start3A_170 = arith.constant 0 : i32
      %dma_start3A_171 = tpu.memref_slice %arg7[%multiple_of3A_32, %dma_start3A_170] : memref<10000x128xf32, #tpu.memory_space<vmem_shared>> -> memref<80x128xf32, #tpu.memory_space<vmem_shared>>
      tpu.enqueue_dma source(%arg10 : memref<80x128xf32, #tpu.memory_space<vmem>>) target(%dma_start3A_171 : memref<80x128xf32, #tpu.memory_space<vmem_shared>>) target_semaphore(%run_scoped3A : memref<!tpu.dma_semaphore, #tpu.memory_space<semaphore_mem>>)
      %dma_wait3A_172 = arith.constant 0 : i32
      %dma_wait3A_173 = tpu.memref_slice %arg7[%multiple_of3A_32, %dma_wait3A_172] : memref<10000x128xf32, #tpu.memory_space<vmem_shared>> -> memref<80x128xf32, #tpu.memory_space<vmem_shared>>
      %dma_wait3A_174 = arith.constant 0 : i32
      %dma_wait3A_175 = tpu.memref_slice %arg7[%multiple_of3A_32, %dma_wait3A_174] : memref<10000x128xf32, #tpu.memory_space<vmem_shared>> -> memref<80x128xf32, #tpu.memory_space<vmem_shared>>
      tpu.wait_dma2 semaphore(%run_scoped3A : memref<!tpu.dma_semaphore, #tpu.memory_space<semaphore_mem>>) src(%arg10 : memref<80x128xf32, #tpu.memory_space<vmem>>) dst(%dma_wait3A_175 : memref<80x128xf32, #tpu.memory_space<vmem_shared>>)
      tpu.yield
    }) : () -> ()
    %add3A_33 = arith.constant 240 : i32
    %add3A_34 = arith.addi %multiple_of3A_23, %add3A_33 : i32
    %multiple_of3A_35 = tpu.assume_multiple %add3A_34, 8 : i32
    "tpu.region"() ({
      %run_scoped3A = tpu.sem_alloc : memref<!tpu.dma_semaphore, #tpu.memory_space<semaphore_mem>>
      %dma_start3A_168 = arith.constant 0 : i32
      %dma_start3A_169 = tpu.memref_slice %arg7[%multiple_of3A_35, %dma_start3A_168] : memref<10000x128xf32, #tpu.memory_space<vmem_shared>> -> memref<80x128xf32, #tpu.memory_space<vmem_shared>>
      %dma_start3A_170 = arith.constant 0 : i32
      %dma_start3A_171 = tpu.memref_slice %arg7[%multiple_of3A_35, %dma_start3A_170] : memref<10000x128xf32, #tpu.memory_space<vmem_shared>> -> memref<80x128xf32, #tpu.memory_space<vmem_shared>>
      tpu.enqueue_dma source(%arg10 : memref<80x128xf32, #tpu.memory_space<vmem>>) target(%dma_start3A_171 : memref<80x128xf32, #tpu.memory_space<vmem_shared>>) target_semaphore(%run_scoped3A : memref<!tpu.dma_semaphore, #tpu.memory_space<semaphore_mem>>)
      %dma_wait3A_172 = arith.constant 0 : i32
      %dma_wait3A_173 = tpu.memref_slice %arg7[%multiple_of3A_35, %dma_wait3A_172] : memref<10000x128xf32, #tpu.memory_space<vmem_shared>> -> memref<80x128xf32, #tpu.memory_space<vmem_shared>>
      %dma_wait3A_174 = arith.constant 0 : i32
      %dma_wait3A_175 = tpu.memref_slice %arg7[%multiple_of3A_35, %dma_wait3A_174] : memref<10000x128xf32, #tpu.memory_space<vmem_shared>> -> memref<80x128xf32, #tpu.memory_space<vmem_shared>>
      tpu.wait_dma2 semaphore(%run_scoped3A : memref<!tpu.dma_semaphore, #tpu.memory_space<semaphore_mem>>) src(%arg10 : memref<80x128xf32, #tpu.memory_space<vmem>>) dst(%dma_wait3A_175 : memref<80x128xf32, #tpu.memory_space<vmem_shared>>)
      tpu.yield
    }) : () -> ()
    %add3A_36 = arith.constant 320 : i32
    %add3A_37 = arith.addi %multiple_of3A_23, %add3A_36 : i32
    %multiple_of3A_38 = tpu.assume_multiple %add3A_37, 8 : i32
    "tpu.region"() ({
      %run_scoped3A = tpu.sem_alloc : memref<!tpu.dma_semaphore, #tpu.memory_space<semaphore_mem>>
      %dma_start3A_168 = arith.constant 0 : i32
      %dma_start3A_169 = tpu.memref_slice %arg7[%multiple_of3A_38, %dma_start3A_168] : memref<10000x128xf32, #tpu.memory_space<vmem_shared>> -> memref<80x128xf32, #tpu.memory_space<vmem_shared>>
      %dma_start3A_170 = arith.constant 0 : i32
      %dma_start3A_171 = tpu.memref_slice %arg7[%multiple_of3A_38, %dma_start3A_170] : memref<10000x128xf32, #tpu.memory_space<vmem_shared>> -> memref<80x128xf32, #tpu.memory_space<vmem_shared>>
      tpu.enqueue_dma source(%arg10 : memref<80x128xf32, #tpu.memory_space<vmem>>) target(%dma_start3A_171 : memref<80x128xf32, #tpu.memory_space<vmem_shared>>) target_semaphore(%run_scoped3A : memref<!tpu.dma_semaphore, #tpu.memory_space<semaphore_mem>>)
      %dma_wait3A_172 = arith.constant 0 : i32
      %dma_wait3A_173 = tpu.memref_slice %arg7[%multiple_of3A_38, %dma_wait3A_172] : memref<10000x128xf32, #tpu.memory_space<vmem_shared>> -> memref<80x128xf32, #tpu.memory_space<vmem_shared>>
      %dma_wait3A_174 = arith.constant 0 : i32
      %dma_wait3A_175 = tpu.memref_slice %arg7[%multiple_of3A_38, %dma_wait3A_174] : memref<10000x128xf32, #tpu.memory_space<vmem_shared>> -> memref<80x128xf32, #tpu.memory_space<vmem_shared>>
      tpu.wait_dma2 semaphore(%run_scoped3A : memref<!tpu.dma_semaphore, #tpu.memory_space<semaphore_mem>>) src(%arg10 : memref<80x128xf32, #tpu.memory_space<vmem>>) dst(%dma_wait3A_175 : memref<80x128xf32, #tpu.memory_space<vmem_shared>>)
      tpu.yield
    }) : () -> ()
    %add3A_39 = arith.constant 400 : i32
    %add3A_40 = arith.addi %multiple_of3A_23, %add3A_39 : i32
    %multiple_of3A_41 = tpu.assume_multiple %add3A_40, 8 : i32
    "tpu.region"() ({
      %run_scoped3A = tpu.sem_alloc : memref<!tpu.dma_semaphore, #tpu.memory_space<semaphore_mem>>
      %dma_start3A_168 = arith.constant 0 : i32
      %dma_start3A_169 = tpu.memref_slice %arg7[%multiple_of3A_41, %dma_start3A_168] : memref<10000x128xf32, #tpu.memory_space<vmem_shared>> -> memref<80x128xf32, #tpu.memory_space<vmem_shared>>
      %dma_start3A_170 = arith.constant 0 : i32
      %dma_start3A_171 = tpu.memref_slice %arg7[%multiple_of3A_41, %dma_start3A_170] : memref<10000x128xf32, #tpu.memory_space<vmem_shared>> -> memref<80x128xf32, #tpu.memory_space<vmem_shared>>
      tpu.enqueue_dma source(%arg10 : memref<80x128xf32, #tpu.memory_space<vmem>>) target(%dma_start3A_171 : memref<80x128xf32, #tpu.memory_space<vmem_shared>>) target_semaphore(%run_scoped3A : memref<!tpu.dma_semaphore, #tpu.memory_space<semaphore_mem>>)
      %dma_wait3A_172 = arith.constant 0 : i32
      %dma_wait3A_173 = tpu.memref_slice %arg7[%multiple_of3A_41, %dma_wait3A_172] : memref<10000x128xf32, #tpu.memory_space<vmem_shared>> -> memref<80x128xf32, #tpu.memory_space<vmem_shared>>
      %dma_wait3A_174 = arith.constant 0 : i32
      %dma_wait3A_175 = tpu.memref_slice %arg7[%multiple_of3A_41, %dma_wait3A_174] : memref<10000x128xf32, #tpu.memory_space<vmem_shared>> -> memref<80x128xf32, #tpu.memory_space<vmem_shared>>
      tpu.wait_dma2 semaphore(%run_scoped3A : memref<!tpu.dma_semaphore, #tpu.memory_space<semaphore_mem>>) src(%arg10 : memref<80x128xf32, #tpu.memory_space<vmem>>) dst(%dma_wait3A_175 : memref<80x128xf32, #tpu.memory_space<vmem_shared>>)
      tpu.yield
    }) : () -> ()
    %add3A_42 = arith.constant 480 : i32
    %add3A_43 = arith.addi %multiple_of3A_23, %add3A_42 : i32
    %multiple_of3A_44 = tpu.assume_multiple %add3A_43, 8 : i32
    "tpu.region"() ({
      %run_scoped3A = tpu.sem_alloc : memref<!tpu.dma_semaphore, #tpu.memory_space<semaphore_mem>>
      %dma_start3A_168 = arith.constant 0 : i32
      %dma_start3A_169 = tpu.memref_slice %arg7[%multiple_of3A_44, %dma_start3A_168] : memref<10000x128xf32, #tpu.memory_space<vmem_shared>> -> memref<80x128xf32, #tpu.memory_space<vmem_shared>>
      %dma_start3A_170 = arith.constant 0 : i32
      %dma_start3A_171 = tpu.memref_slice %arg7[%multiple_of3A_44, %dma_start3A_170] : memref<10000x128xf32, #tpu.memory_space<vmem_shared>> -> memref<80x128xf32, #tpu.memory_space<vmem_shared>>
      tpu.enqueue_dma source(%arg10 : memref<80x128xf32, #tpu.memory_space<vmem>>) target(%dma_start3A_171 : memref<80x128xf32, #tpu.memory_space<vmem_shared>>) target_semaphore(%run_scoped3A : memref<!tpu.dma_semaphore, #tpu.memory_space<semaphore_mem>>)
      %dma_wait3A_172 = arith.constant 0 : i32
      %dma_wait3A_173 = tpu.memref_slice %arg7[%multiple_of3A_44, %dma_wait3A_172] : memref<10000x128xf32, #tpu.memory_space<vmem_shared>> -> memref<80x128xf32, #tpu.memory_space<vmem_shared>>
      %dma_wait3A_174 = arith.constant 0 : i32
      %dma_wait3A_175 = tpu.memref_slice %arg7[%multiple_of3A_44, %dma_wait3A_174] : memref<10000x128xf32, #tpu.memory_space<vmem_shared>> -> memref<80x128xf32, #tpu.memory_space<vmem_shared>>
      tpu.wait_dma2 semaphore(%run_scoped3A : memref<!tpu.dma_semaphore, #tpu.memory_space<semaphore_mem>>) src(%arg10 : memref<80x128xf32, #tpu.memory_space<vmem>>) dst(%dma_wait3A_175 : memref<80x128xf32, #tpu.memory_space<vmem_shared>>)
      tpu.yield
    }) : () -> ()
    %add3A_45 = arith.constant 560 : i32
    %add3A_46 = arith.addi %multiple_of3A_23, %add3A_45 : i32
    %multiple_of3A_47 = tpu.assume_multiple %add3A_46, 8 : i32
    "tpu.region"() ({
      %run_scoped3A = tpu.sem_alloc : memref<!tpu.dma_semaphore, #tpu.memory_space<semaphore_mem>>
      %dma_start3A_168 = arith.constant 0 : i32
      %dma_start3A_169 = tpu.memref_slice %arg7[%multiple_of3A_47, %dma_start3A_168] : memref<10000x128xf32, #tpu.memory_space<vmem_shared>> -> memref<80x128xf32, #tpu.memory_space<vmem_shared>>
      %dma_start3A_170 = arith.constant 0 : i32
      %dma_start3A_171 = tpu.memref_slice %arg7[%multiple_of3A_47, %dma_start3A_170] : memref<10000x128xf32, #tpu.memory_space<vmem_shared>> -> memref<80x128xf32, #tpu.memory_space<vmem_shared>>
      tpu.enqueue_dma source(%arg10 : memref<80x128xf32, #tpu.memory_space<vmem>>) target(%dma_start3A_171 : memref<80x128xf32, #tpu.memory_space<vmem_shared>>) target_semaphore(%run_scoped3A : memref<!tpu.dma_semaphore, #tpu.memory_space<semaphore_mem>>)
      %dma_wait3A_172 = arith.constant 0 : i32
      %dma_wait3A_173 = tpu.memref_slice %arg7[%multiple_of3A_47, %dma_wait3A_172] : memref<10000x128xf32, #tpu.memory_space<vmem_shared>> -> memref<80x128xf32, #tpu.memory_space<vmem_shared>>
      %dma_wait3A_174 = arith.constant 0 : i32
      %dma_wait3A_175 = tpu.memref_slice %arg7[%multiple_of3A_47, %dma_wait3A_174] : memref<10000x128xf32, #tpu.memory_space<vmem_shared>> -> memref<80x128xf32, #tpu.memory_space<vmem_shared>>
      tpu.wait_dma2 semaphore(%run_scoped3A : memref<!tpu.dma_semaphore, #tpu.memory_space<semaphore_mem>>) src(%arg10 : memref<80x128xf32, #tpu.memory_space<vmem>>) dst(%dma_wait3A_175 : memref<80x128xf32, #tpu.memory_space<vmem_shared>>)
      tpu.yield
    }) : () -> ()
    %scan3A = arith.constant 0 : i32
    %scan3A_48 = arith.constant 0 : i32
    %scan3A_49 = arith.constant 625 : i32
    %scan3A_50 = arith.addi %scan3A_48, %scan3A_49 : i32
    %scan3A_51 = arith.constant 1 : i32
    %scan3A_52 = scf.for %scan3A_168 = %scan3A_48 to %scan3A_50 step %scan3A_51 iter_args(%scan3A_169 = %scan3A) -> (i32)  : i32 {
      %broadcast_in_dim3A_170 = arith.constant 0.000000e+00 : f32
      %broadcast_in_dim3A_171 = vector.broadcast %broadcast_in_dim3A_170 : f32 to vector<16xf32>
      %mul3A_172 = arith.constant 16 : i32
      %mul3A_173 = arith.muli %scan3A_168, %mul3A_172 : i32
      %swap3A = arith.index_cast %mul3A_173 : i32 to index
      %swap3A_174 = tpu.vector_load %arg14[%swap3A] {strides = array<i32>} : memref<10000xf32, #tpu.memory_space<vmem>>, vector<16xf32>,
      tpu.vector_store %arg14[%swap3A], %broadcast_in_dim3A_171 {strides = array<i32>} : memref<10000xf32, #tpu.memory_space<vmem>>, vector<16xf32>,
      %scan3A_175 = arith.constant 0 : i32
      scf.yield %scan3A_175 : i32
    }
    %scan3A_53 = arith.constant 625 : i32
    %barrier3A = arith.constant 0 : index
    tpu.barrier barrier_id(%barrier3A)
    %scan3A_54 = arith.constant 0 : i32
    %scan3A_55 = arith.constant 0 : i32
    %scan3A_56 = arith.constant 41 : i32
    %scan3A_57 = arith.addi %scan3A_55, %scan3A_56 : i32
    %scan3A_58 = arith.constant 1 : i32
    %scan3A_59 = scf.for %scan3A_168 = %scan3A_55 to %scan3A_57 step %scan3A_58 iter_args(%scan3A_169 = %scan3A_54) -> (i32)  : i32 {
      %mul3A_170 = arith.constant 3 : i32
      %mul3A_171 = arith.muli %mul3A_170, %scan3A_168 : i32
      %add3A_172 = arith.constant 0 : i32
      %add3A_173 = arith.addi %mul3A_171, %add3A_172 : i32
      %dma_wait3A_174 = arith.constant 0 : i32
      %dma_wait3A_175 = arith.constant 0 : i32
      %dma_wait3A_176 = tpu.memref_slice %arg2[%dma_wait3A_174, %dma_wait3A_175] : memref<320000x128xf32, #tpu.memory_space<hbm>> -> memref<80x128xf32, #tpu.memory_space<hbm>>
      %dma_wait3A_177 = arith.constant 0 : i32
      %dma_wait3A_178 = arith.constant 0 : i32
      %dma_wait3A_179 = tpu.memref_slice %arg2[%dma_wait3A_177, %dma_wait3A_178] : memref<320000x128xf32, #tpu.memory_space<hbm>> -> memref<80x128xf32, #tpu.memory_space<hbm>>
      tpu.wait_dma2 semaphore(%arg15 : memref<!tpu.dma_semaphore, #tpu.memory_space<semaphore_mem>>) src(%dma_wait3A_179 : memref<80x128xf32, #tpu.memory_space<hbm>>) dst(%arg8 : memref<80x128xf32, #tpu.memory_space<vmem>>)
      %dma_wait3A_180 = arith.constant 0 : i32
      %dma_wait3A_181 = tpu.memref_slice %arg3[%dma_wait3A_180] : memref<320000xi32, #tpu.memory_space<hbm>> -> memref<80xi32, #tpu.memory_space<hbm>>
      %dma_wait3A_182 = arith.constant 0 : i32
      %dma_wait3A_183 = tpu.memref_slice %arg3[%dma_wait3A_182] : memref<320000xi32, #tpu.memory_space<hbm>> -> memref<80xi32, #tpu.memory_space<hbm>>
      tpu.wait_dma2 semaphore(%arg18 : memref<!tpu.dma_semaphore, #tpu.memory_space<semaphore_mem>>) src(%dma_wait3A_183 : memref<80xi32, #tpu.memory_space<hbm>>) dst(%arg11 : memref<80xi32, #tpu.memory_space<vmem>>)
      %dma_start3A_184 = arith.constant 0 : i32
      %dma_start3A_185 = arith.constant 0 : i32
      %dma_start3A_186 = tpu.memref_slice %arg7[%dma_start3A_184, %dma_start3A_185] : memref<10000x128xf32, #tpu.memory_space<vmem_shared>> -> memref<10000x128xf32, #tpu.memory_space<vmem_shared>>
      tpu.enqueue_indirect_dma source(%arg8 : memref<80x128xf32, #tpu.memory_space<vmem>>) target(%dma_start3A_186 : memref<10000x128xf32, #tpu.memory_space<vmem_shared>>) offsets(%arg11 : memref<80xi32, #tpu.memory_space<vmem>>) semaphore(%arg21 : memref<!tpu.dma_semaphore, #tpu.memory_space<semaphore_mem>>) {add = true}
      %gt3A = arith.constant 0 : i32
      %gt3A_187 = arith.cmpi sgt, %scan3A_168, %gt3A : i32
      %convert_element_type3A_188 = arith.extui %gt3A_187 : i1 to i32
      %cond3A_189 = arith.constant 0 : i32
      %cond3A_190 = arith.cmpi ne, %convert_element_type3A_188, %cond3A_189 : i32
      scf.if %cond3A_190 {
        %dma_wait3A_355 = arith.constant 0 : i32
        %dma_wait3A_356 = arith.constant 0 : i32
        %dma_wait3A_357 = tpu.memref_slice %arg7[%dma_wait3A_355, %dma_wait3A_356] : memref<10000x128xf32, #tpu.memory_space<vmem_shared>> -> memref<10000x128xf32, #tpu.memory_space<vmem_shared>>
        tpu.wait_indirect_dma semaphore(%arg23 : memref<!tpu.dma_semaphore, #tpu.memory_space<semaphore_mem>>) src(%arg10 : memref<80x128xf32, #tpu.memory_space<vmem>>) dst(%dma_wait3A_357 : memref<10000x128xf32, #tpu.memory_space<vmem_shared>>)
      } else {
      }
      %add3A_191 = arith.constant 2 : i32
      %add3A_192 = arith.addi %add3A_173, %add3A_191 : i32
      %lt3A_193 = arith.cmpi slt, %add3A_192, %select_n3A : i32
      %convert_element_type3A_194 = arith.extui %lt3A_193 : i1 to i32
      %cond3A_195 = arith.constant 0 : i32
      %cond3A_196 = arith.cmpi ne, %convert_element_type3A_194, %cond3A_195 : i32
      scf.if %cond3A_196 {
        %mul3A_355 = arith.constant 32 : i32
        %mul3A_356 = arith.muli %add3A_192, %mul3A_355 : i32
        %add3A_357 = arith.addi %mul3A_356, %add3A : i32
        %mul3A_358 = arith.constant 80 : i32
        %mul3A_359 = arith.muli %add3A_357, %mul3A_358 : i32
        %multiple_of3A_360 = tpu.assume_multiple %mul3A_359, 80 : i32
        %dma_start3A_361 = arith.constant 0 : i32
        %dma_start3A_362 = tpu.memref_slice %arg2[%multiple_of3A_360, %dma_start3A_361] : memref<320000x128xf32, #tpu.memory_space<hbm>> -> memref<80x128xf32, #tpu.memory_space<hbm>>
        %dma_start3A_363 = arith.constant 0 : i32
        %dma_start3A_364 = tpu.memref_slice %arg2[%multiple_of3A_360, %dma_start3A_363] : memref<320000x128xf32, #tpu.memory_space<hbm>> -> memref<80x128xf32, #tpu.memory_space<hbm>>
        tpu.enqueue_dma source(%dma_start3A_364 : memref<80x128xf32, #tpu.memory_space<hbm>>) target(%arg10 : memref<80x128xf32, #tpu.memory_space<vmem>>) target_semaphore(%arg17 : memref<!tpu.dma_semaphore, #tpu.memory_space<semaphore_mem>>)
        %dma_start3A_365 = tpu.memref_slice %arg3[%multiple_of3A_360] : memref<320000xi32, #tpu.memory_space<hbm>> -> memref<80xi32, #tpu.memory_space<hbm>>
        %dma_start3A_366 = tpu.memref_slice %arg3[%multiple_of3A_360] : memref<320000xi32, #tpu.memory_space<hbm>> -> memref<80xi32, #tpu.memory_space<hbm>>
        tpu.enqueue_dma source(%dma_start3A_366 : memref<80xi32, #tpu.memory_space<hbm>>) target(%arg13 : memref<80xi32, #tpu.memory_space<vmem>>) target_semaphore(%arg20 : memref<!tpu.dma_semaphore, #tpu.memory_space<semaphore_mem>>)
      } else {
      }
      %get3A_197 = arith.constant 0 : index
      %get3A_198 = tpu.vector_load %arg11[%get3A_197] {strides = array<i32>} : memref<80xi32, #tpu.memory_space<vmem>>, vector<16xi32>,
      %broadcast_in_dim3A_199 = arith.constant true
      %broadcast_in_dim3A_200 = vector.broadcast %broadcast_in_dim3A_199 : i1 to vector<16xi1>
      %unique3A_201, %unique3A_202 = tpu.scan_count mask(%broadcast_in_dim3A_200 : vector<16xi1>) value(%get3A_198 : vector<16xi32>) : vector<16xi1>, vector<16xi32>
      %convert_element_type3A_203 = arith.sitofp %unique3A_202 : vector<16xi32> to vector<16xf32>
      tpu.vector_store_idx %arg14[%get3A_198], %convert_element_type3A_203 masked %unique3A_201 {add = true} : memref<10000xf32, #tpu.memory_space<vmem>>[vector<16xi32>], vector<16xf32>, vector<16xi1>
      %get3A_204 = arith.constant 16 : index
      %get3A_205 = tpu.vector_load %arg11[%get3A_204] {strides = array<i32>} : memref<80xi32, #tpu.memory_space<vmem>>, vector<16xi32>,
      %broadcast_in_dim3A_206 = arith.constant true
      %broadcast_in_dim3A_207 = vector.broadcast %broadcast_in_dim3A_206 : i1 to vector<16xi1>
      %unique3A_208, %unique3A_209 = tpu.scan_count mask(%broadcast_in_dim3A_207 : vector<16xi1>) value(%get3A_205 : vector<16xi32>) : vector<16xi1>, vector<16xi32>
      %convert_element_type3A_210 = arith.sitofp %unique3A_209 : vector<16xi32> to vector<16xf32>
      tpu.vector_store_idx %arg14[%get3A_205], %convert_element_type3A_210 masked %unique3A_208 {add = true} : memref<10000xf32, #tpu.memory_space<vmem>>[vector<16xi32>], vector<16xf32>, vector<16xi1>
      %get3A_211 = arith.constant 32 : index
      %get3A_212 = tpu.vector_load %arg11[%get3A_211] {strides = array<i32>} : memref<80xi32, #tpu.memory_space<vmem>>, vector<16xi32>,
      %broadcast_in_dim3A_213 = arith.constant true
      %broadcast_in_dim3A_214 = vector.broadcast %broadcast_in_dim3A_213 : i1 to vector<16xi1>
      %unique3A_215, %unique3A_216 = tpu.scan_count mask(%broadcast_in_dim3A_214 : vector<16xi1>) value(%get3A_212 : vector<16xi32>) : vector<16xi1>, vector<16xi32>
      %convert_element_type3A_217 = arith.sitofp %unique3A_216 : vector<16xi32> to vector<16xf32>
      tpu.vector_store_idx %arg14[%get3A_212], %convert_element_type3A_217 masked %unique3A_215 {add = true} : memref<10000xf32, #tpu.memory_space<vmem>>[vector<16xi32>], vector<16xf32>, vector<16xi1>
      %get3A_218 = arith.constant 48 : index
      %get3A_219 = tpu.vector_load %arg11[%get3A_218] {strides = array<i32>} : memref<80xi32, #tpu.memory_space<vmem>>, vector<16xi32>,
      %broadcast_in_dim3A_220 = arith.constant true
      %broadcast_in_dim3A_221 = vector.broadcast %broadcast_in_dim3A_220 : i1 to vector<16xi1>
      %unique3A_222, %unique3A_223 = tpu.scan_count mask(%broadcast_in_dim3A_221 : vector<16xi1>) value(%get3A_219 : vector<16xi32>) : vector<16xi1>, vector<16xi32>
      %convert_element_type3A_224 = arith.sitofp %unique3A_223 : vector<16xi32> to vector<16xf32>
      tpu.vector_store_idx %arg14[%get3A_219], %convert_element_type3A_224 masked %unique3A_222 {add = true} : memref<10000xf32, #tpu.memory_space<vmem>>[vector<16xi32>], vector<16xf32>, vector<16xi1>
      %get3A_225 = arith.constant 64 : index
      %get3A_226 = tpu.vector_load %arg11[%get3A_225] {strides = array<i32>} : memref<80xi32, #tpu.memory_space<vmem>>, vector<16xi32>,
      %broadcast_in_dim3A_227 = arith.constant true
      %broadcast_in_dim3A_228 = vector.broadcast %broadcast_in_dim3A_227 : i1 to vector<16xi1>
      %unique3A_229, %unique3A_230 = tpu.scan_count mask(%broadcast_in_dim3A_228 : vector<16xi1>) value(%get3A_226 : vector<16xi32>) : vector<16xi1>, vector<16xi32>
      %convert_element_type3A_231 = arith.sitofp %unique3A_230 : vector<16xi32> to vector<16xf32>
      tpu.vector_store_idx %arg14[%get3A_226], %convert_element_type3A_231 masked %unique3A_229 {add = true} : memref<10000xf32, #tpu.memory_space<vmem>>[vector<16xi32>], vector<16xf32>, vector<16xi1>
      %mul3A_232 = arith.constant 3 : i32
      %mul3A_233 = arith.muli %mul3A_232, %scan3A_168 : i32
      %add3A_234 = arith.constant 1 : i32
      %add3A_235 = arith.addi %mul3A_233, %add3A_234 : i32
      %dma_wait3A_236 = arith.constant 0 : i32
      %dma_wait3A_237 = arith.constant 0 : i32
      %dma_wait3A_238 = tpu.memref_slice %arg2[%dma_wait3A_236, %dma_wait3A_237] : memref<320000x128xf32, #tpu.memory_space<hbm>> -> memref<80x128xf32, #tpu.memory_space<hbm>>
      %dma_wait3A_239 = arith.constant 0 : i32
      %dma_wait3A_240 = arith.constant 0 : i32
      %dma_wait3A_241 = tpu.memref_slice %arg2[%dma_wait3A_239, %dma_wait3A_240] : memref<320000x128xf32, #tpu.memory_space<hbm>> -> memref<80x128xf32, #tpu.memory_space<hbm>>
      tpu.wait_dma2 semaphore(%arg16 : memref<!tpu.dma_semaphore, #tpu.memory_space<semaphore_mem>>) src(%dma_wait3A_241 : memref<80x128xf32, #tpu.memory_space<hbm>>) dst(%arg9 : memref<80x128xf32, #tpu.memory_space<vmem>>)
      %dma_wait3A_242 = arith.constant 0 : i32
      %dma_wait3A_243 = tpu.memref_slice %arg3[%dma_wait3A_242] : memref<320000xi32, #tpu.memory_space<hbm>> -> memref<80xi32, #tpu.memory_space<hbm>>
      %dma_wait3A_244 = arith.constant 0 : i32
      %dma_wait3A_245 = tpu.memref_slice %arg3[%dma_wait3A_244] : memref<320000xi32, #tpu.memory_space<hbm>> -> memref<80xi32, #tpu.memory_space<hbm>>
      tpu.wait_dma2 semaphore(%arg19 : memref<!tpu.dma_semaphore, #tpu.memory_space<semaphore_mem>>) src(%dma_wait3A_245 : memref<80xi32, #tpu.memory_space<hbm>>) dst(%arg12 : memref<80xi32, #tpu.memory_space<vmem>>)
      %dma_start3A_246 = arith.constant 0 : i32
      %dma_start3A_247 = arith.constant 0 : i32
      %dma_start3A_248 = tpu.memref_slice %arg7[%dma_start3A_246, %dma_start3A_247] : memref<10000x128xf32, #tpu.memory_space<vmem_shared>> -> memref<10000x128xf32, #tpu.memory_space<vmem_shared>>
      tpu.enqueue_indirect_dma source(%arg9 : memref<80x128xf32, #tpu.memory_space<vmem>>) target(%dma_start3A_248 : memref<10000x128xf32, #tpu.memory_space<vmem_shared>>) offsets(%arg12 : memref<80xi32, #tpu.memory_space<vmem>>) semaphore(%arg22 : memref<!tpu.dma_semaphore, #tpu.memory_space<semaphore_mem>>) {add = true}
      %dma_wait3A_249 = arith.constant 0 : i32
      %dma_wait3A_250 = arith.constant 0 : i32
      %dma_wait3A_251 = tpu.memref_slice %arg7[%dma_wait3A_249, %dma_wait3A_250] : memref<10000x128xf32, #tpu.memory_space<vmem_shared>> -> memref<10000x128xf32, #tpu.memory_space<vmem_shared>>
      tpu.wait_indirect_dma semaphore(%arg21 : memref<!tpu.dma_semaphore, #tpu.memory_space<semaphore_mem>>) src(%arg8 : memref<80x128xf32, #tpu.memory_space<vmem>>) dst(%dma_wait3A_251 : memref<10000x128xf32, #tpu.memory_space<vmem_shared>>)
      %add3A_252 = arith.constant 2 : i32
      %add3A_253 = arith.addi %add3A_235, %add3A_252 : i32
      %lt3A_254 = arith.cmpi slt, %add3A_253, %select_n3A : i32
      %convert_element_type3A_255 = arith.extui %lt3A_254 : i1 to i32
      %cond3A_256 = arith.constant 0 : i32
      %cond3A_257 = arith.cmpi ne, %convert_element_type3A_255, %cond3A_256 : i32
      scf.if %cond3A_257 {
        %mul3A_355 = arith.constant 32 : i32
        %mul3A_356 = arith.muli %add3A_253, %mul3A_355 : i32
        %add3A_357 = arith.addi %mul3A_356, %add3A : i32
        %mul3A_358 = arith.constant 80 : i32
        %mul3A_359 = arith.muli %add3A_357, %mul3A_358 : i32
        %multiple_of3A_360 = tpu.assume_multiple %mul3A_359, 80 : i32
        %dma_start3A_361 = arith.constant 0 : i32
        %dma_start3A_362 = tpu.memref_slice %arg2[%multiple_of3A_360, %dma_start3A_361] : memref<320000x128xf32, #tpu.memory_space<hbm>> -> memref<80x128xf32, #tpu.memory_space<hbm>>
        %dma_start3A_363 = arith.constant 0 : i32
        %dma_start3A_364 = tpu.memref_slice %arg2[%multiple_of3A_360, %dma_start3A_363] : memref<320000x128xf32, #tpu.memory_space<hbm>> -> memref<80x128xf32, #tpu.memory_space<hbm>>
        tpu.enqueue_dma source(%dma_start3A_364 : memref<80x128xf32, #tpu.memory_space<hbm>>) target(%arg8 : memref<80x128xf32, #tpu.memory_space<vmem>>) target_semaphore(%arg15 : memref<!tpu.dma_semaphore, #tpu.memory_space<semaphore_mem>>)
        %dma_start3A_365 = tpu.memref_slice %arg3[%multiple_of3A_360] : memref<320000xi32, #tpu.memory_space<hbm>> -> memref<80xi32, #tpu.memory_space<hbm>>
        %dma_start3A_366 = tpu.memref_slice %arg3[%multiple_of3A_360] : memref<320000xi32, #tpu.memory_space<hbm>> -> memref<80xi32, #tpu.memory_space<hbm>>
        tpu.enqueue_dma source(%dma_start3A_366 : memref<80xi32, #tpu.memory_space<hbm>>) target(%arg11 : memref<80xi32, #tpu.memory_space<vmem>>) target_semaphore(%arg18 : memref<!tpu.dma_semaphore, #tpu.memory_space<semaphore_mem>>)
      } else {
      }
      %get3A_258 = arith.constant 0 : index
      %get3A_259 = tpu.vector_load %arg12[%get3A_258] {strides = array<i32>} : memref<80xi32, #tpu.memory_space<vmem>>, vector<16xi32>,
      %broadcast_in_dim3A_260 = arith.constant true
      %broadcast_in_dim3A_261 = vector.broadcast %broadcast_in_dim3A_260 : i1 to vector<16xi1>
      %unique3A_262, %unique3A_263 = tpu.scan_count mask(%broadcast_in_dim3A_261 : vector<16xi1>) value(%get3A_259 : vector<16xi32>) : vector<16xi1>, vector<16xi32>
      %convert_element_type3A_264 = arith.sitofp %unique3A_263 : vector<16xi32> to vector<16xf32>
      tpu.vector_store_idx %arg14[%get3A_259], %convert_element_type3A_264 masked %unique3A_262 {add = true} : memref<10000xf32, #tpu.memory_space<vmem>>[vector<16xi32>], vector<16xf32>, vector<16xi1>
      %get3A_265 = arith.constant 16 : index
      %get3A_266 = tpu.vector_load %arg12[%get3A_265] {strides = array<i32>} : memref<80xi32, #tpu.memory_space<vmem>>, vector<16xi32>,
      %broadcast_in_dim3A_267 = arith.constant true
      %broadcast_in_dim3A_268 = vector.broadcast %broadcast_in_dim3A_267 : i1 to vector<16xi1>
      %unique3A_269, %unique3A_270 = tpu.scan_count mask(%broadcast_in_dim3A_268 : vector<16xi1>) value(%get3A_266 : vector<16xi32>) : vector<16xi1>, vector<16xi32>
      %convert_element_type3A_271 = arith.sitofp %unique3A_270 : vector<16xi32> to vector<16xf32>
      tpu.vector_store_idx %arg14[%get3A_266], %convert_element_type3A_271 masked %unique3A_269 {add = true} : memref<10000xf32, #tpu.memory_space<vmem>>[vector<16xi32>], vector<16xf32>, vector<16xi1>
      %get3A_272 = arith.constant 32 : index
      %get3A_273 = tpu.vector_load %arg12[%get3A_272] {strides = array<i32>} : memref<80xi32, #tpu.memory_space<vmem>>, vector<16xi32>,
      %broadcast_in_dim3A_274 = arith.constant true
      %broadcast_in_dim3A_275 = vector.broadcast %broadcast_in_dim3A_274 : i1 to vector<16xi1>
      %unique3A_276, %unique3A_277 = tpu.scan_count mask(%broadcast_in_dim3A_275 : vector<16xi1>) value(%get3A_273 : vector<16xi32>) : vector<16xi1>, vector<16xi32>
      %convert_element_type3A_278 = arith.sitofp %unique3A_277 : vector<16xi32> to vector<16xf32>
      tpu.vector_store_idx %arg14[%get3A_273], %convert_element_type3A_278 masked %unique3A_276 {add = true} : memref<10000xf32, #tpu.memory_space<vmem>>[vector<16xi32>], vector<16xf32>, vector<16xi1>
      %get3A_279 = arith.constant 48 : index
      %get3A_280 = tpu.vector_load %arg12[%get3A_279] {strides = array<i32>} : memref<80xi32, #tpu.memory_space<vmem>>, vector<16xi32>,
      %broadcast_in_dim3A_281 = arith.constant true
      %broadcast_in_dim3A_282 = vector.broadcast %broadcast_in_dim3A_281 : i1 to vector<16xi1>
      %unique3A_283, %unique3A_284 = tpu.scan_count mask(%broadcast_in_dim3A_282 : vector<16xi1>) value(%get3A_280 : vector<16xi32>) : vector<16xi1>, vector<16xi32>
      %convert_element_type3A_285 = arith.sitofp %unique3A_284 : vector<16xi32> to vector<16xf32>
      tpu.vector_store_idx %arg14[%get3A_280], %convert_element_type3A_285 masked %unique3A_283 {add = true} : memref<10000xf32, #tpu.memory_space<vmem>>[vector<16xi32>], vector<16xf32>, vector<16xi1>
      %get3A_286 = arith.constant 64 : index
      %get3A_287 = tpu.vector_load %arg12[%get3A_286] {strides = array<i32>} : memref<80xi32, #tpu.memory_space<vmem>>, vector<16xi32>,
      %broadcast_in_dim3A_288 = arith.constant true
      %broadcast_in_dim3A_289 = vector.broadcast %broadcast_in_dim3A_288 : i1 to vector<16xi1>
      %unique3A_290, %unique3A_291 = tpu.scan_count mask(%broadcast_in_dim3A_289 : vector<16xi1>) value(%get3A_287 : vector<16xi32>) : vector<16xi1>, vector<16xi32>
      %convert_element_type3A_292 = arith.sitofp %unique3A_291 : vector<16xi32> to vector<16xf32>
      tpu.vector_store_idx %arg14[%get3A_287], %convert_element_type3A_292 masked %unique3A_290 {add = true} : memref<10000xf32, #tpu.memory_space<vmem>>[vector<16xi32>], vector<16xf32>, vector<16xi1>
      %mul3A_293 = arith.constant 3 : i32
      %mul3A_294 = arith.muli %mul3A_293, %scan3A_168 : i32
      %add3A_295 = arith.constant 2 : i32
      %add3A_296 = arith.addi %mul3A_294, %add3A_295 : i32
      %dma_wait3A_297 = arith.constant 0 : i32
      %dma_wait3A_298 = arith.constant 0 : i32
      %dma_wait3A_299 = tpu.memref_slice %arg2[%dma_wait3A_297, %dma_wait3A_298] : memref<320000x128xf32, #tpu.memory_space<hbm>> -> memref<80x128xf32, #tpu.memory_space<hbm>>
      %dma_wait3A_300 = arith.constant 0 : i32
      %dma_wait3A_301 = arith.constant 0 : i32
      %dma_wait3A_302 = tpu.memref_slice %arg2[%dma_wait3A_300, %dma_wait3A_301] : memref<320000x128xf32, #tpu.memory_space<hbm>> -> memref<80x128xf32, #tpu.memory_space<hbm>>
      tpu.wait_dma2 semaphore(%arg17 : memref<!tpu.dma_semaphore, #tpu.memory_space<semaphore_mem>>) src(%dma_wait3A_302 : memref<80x128xf32, #tpu.memory_space<hbm>>) dst(%arg10 : memref<80x128xf32, #tpu.memory_space<vmem>>)
      %dma_wait3A_303 = arith.constant 0 : i32
      %dma_wait3A_304 = tpu.memref_slice %arg3[%dma_wait3A_303] : memref<320000xi32, #tpu.memory_space<hbm>> -> memref<80xi32, #tpu.memory_space<hbm>>
      %dma_wait3A_305 = arith.constant 0 : i32
      %dma_wait3A_306 = tpu.memref_slice %arg3[%dma_wait3A_305] : memref<320000xi32, #tpu.memory_space<hbm>> -> memref<80xi32, #tpu.memory_space<hbm>>
      tpu.wait_dma2 semaphore(%arg20 : memref<!tpu.dma_semaphore, #tpu.memory_space<semaphore_mem>>) src(%dma_wait3A_306 : memref<80xi32, #tpu.memory_space<hbm>>) dst(%arg13 : memref<80xi32, #tpu.memory_space<vmem>>)
      %dma_start3A_307 = arith.constant 0 : i32
      %dma_start3A_308 = arith.constant 0 : i32
      %dma_start3A_309 = tpu.memref_slice %arg7[%dma_start3A_307, %dma_start3A_308] : memref<10000x128xf32, #tpu.memory_space<vmem_shared>> -> memref<10000x128xf32, #tpu.memory_space<vmem_shared>>
      tpu.enqueue_indirect_dma source(%arg10 : memref<80x128xf32, #tpu.memory_space<vmem>>) target(%dma_start3A_309 : memref<10000x128xf32, #tpu.memory_space<vmem_shared>>) offsets(%arg13 : memref<80xi32, #tpu.memory_space<vmem>>) semaphore(%arg23 : memref<!tpu.dma_semaphore, #tpu.memory_space<semaphore_mem>>) {add = true}
      %dma_wait3A_310 = arith.constant 0 : i32
      %dma_wait3A_311 = arith.constant 0 : i32
      %dma_wait3A_312 = tpu.memref_slice %arg7[%dma_wait3A_310, %dma_wait3A_311] : memref<10000x128xf32, #tpu.memory_space<vmem_shared>> -> memref<10000x128xf32, #tpu.memory_space<vmem_shared>>
      tpu.wait_indirect_dma semaphore(%arg22 : memref<!tpu.dma_semaphore, #tpu.memory_space<semaphore_mem>>) src(%arg9 : memref<80x128xf32, #tpu.memory_space<vmem>>) dst(%dma_wait3A_312 : memref<10000x128xf32, #tpu.memory_space<vmem_shared>>)
      %add3A_313 = arith.constant 2 : i32
      %add3A_314 = arith.addi %add3A_296, %add3A_313 : i32
      %lt3A_315 = arith.cmpi slt, %add3A_314, %select_n3A : i32
      %convert_element_type3A_316 = arith.extui %lt3A_315 : i1 to i32
      %cond3A_317 = arith.constant 0 : i32
      %cond3A_318 = arith.cmpi ne, %convert_element_type3A_316, %cond3A_317 : i32
      scf.if %cond3A_318 {
        %mul3A_355 = arith.constant 32 : i32
        %mul3A_356 = arith.muli %add3A_314, %mul3A_355 : i32
        %add3A_357 = arith.addi %mul3A_356, %add3A : i32
        %mul3A_358 = arith.constant 80 : i32
        %mul3A_359 = arith.muli %add3A_357, %mul3A_358 : i32
        %multiple_of3A_360 = tpu.assume_multiple %mul3A_359, 80 : i32
        %dma_start3A_361 = arith.constant 0 : i32
        %dma_start3A_362 = tpu.memref_slice %arg2[%multiple_of3A_360, %dma_start3A_361] : memref<320000x128xf32, #tpu.memory_space<hbm>> -> memref<80x128xf32, #tpu.memory_space<hbm>>
        %dma_start3A_363 = arith.constant 0 : i32
        %dma_start3A_364 = tpu.memref_slice %arg2[%multiple_of3A_360, %dma_start3A_363] : memref<320000x128xf32, #tpu.memory_space<hbm>> -> memref<80x128xf32, #tpu.memory_space<hbm>>
        tpu.enqueue_dma source(%dma_start3A_364 : memref<80x128xf32, #tpu.memory_space<hbm>>) target(%arg9 : memref<80x128xf32, #tpu.memory_space<vmem>>) target_semaphore(%arg16 : memref<!tpu.dma_semaphore, #tpu.memory_space<semaphore_mem>>)
        %dma_start3A_365 = tpu.memref_slice %arg3[%multiple_of3A_360] : memref<320000xi32, #tpu.memory_space<hbm>> -> memref<80xi32, #tpu.memory_space<hbm>>
        %dma_start3A_366 = tpu.memref_slice %arg3[%multiple_of3A_360] : memref<320000xi32, #tpu.memory_space<hbm>> -> memref<80xi32, #tpu.memory_space<hbm>>
        tpu.enqueue_dma source(%dma_start3A_366 : memref<80xi32, #tpu.memory_space<hbm>>) target(%arg12 : memref<80xi32, #tpu.memory_space<vmem>>) target_semaphore(%arg19 : memref<!tpu.dma_semaphore, #tpu.memory_space<semaphore_mem>>)
      } else {
      }
      %get3A_319 = arith.constant 0 : index
      %get3A_320 = tpu.vector_load %arg13[%get3A_319] {strides = array<i32>} : memref<80xi32, #tpu.memory_space<vmem>>, vector<16xi32>,
      %broadcast_in_dim3A_321 = arith.constant true
      %broadcast_in_dim3A_322 = vector.broadcast %broadcast_in_dim3A_321 : i1 to vector<16xi1>
      %unique3A_323, %unique3A_324 = tpu.scan_count mask(%broadcast_in_dim3A_322 : vector<16xi1>) value(%get3A_320 : vector<16xi32>) : vector<16xi1>, vector<16xi32>
      %convert_element_type3A_325 = arith.sitofp %unique3A_324 : vector<16xi32> to vector<16xf32>
      tpu.vector_store_idx %arg14[%get3A_320], %convert_element_type3A_325 masked %unique3A_323 {add = true} : memref<10000xf32, #tpu.memory_space<vmem>>[vector<16xi32>], vector<16xf32>, vector<16xi1>
      %get3A_326 = arith.constant 16 : index
      %get3A_327 = tpu.vector_load %arg13[%get3A_326] {strides = array<i32>} : memref<80xi32, #tpu.memory_space<vmem>>, vector<16xi32>,
      %broadcast_in_dim3A_328 = arith.constant true
      %broadcast_in_dim3A_329 = vector.broadcast %broadcast_in_dim3A_328 : i1 to vector<16xi1>
      %unique3A_330, %unique3A_331 = tpu.scan_count mask(%broadcast_in_dim3A_329 : vector<16xi1>) value(%get3A_327 : vector<16xi32>) : vector<16xi1>, vector<16xi32>
      %convert_element_type3A_332 = arith.sitofp %unique3A_331 : vector<16xi32> to vector<16xf32>
      tpu.vector_store_idx %arg14[%get3A_327], %convert_element_type3A_332 masked %unique3A_330 {add = true} : memref<10000xf32, #tpu.memory_space<vmem>>[vector<16xi32>], vector<16xf32>, vector<16xi1>
      %get3A_333 = arith.constant 32 : index
      %get3A_334 = tpu.vector_load %arg13[%get3A_333] {strides = array<i32>} : memref<80xi32, #tpu.memory_space<vmem>>, vector<16xi32>,
      %broadcast_in_dim3A_335 = arith.constant true
      %broadcast_in_dim3A_336 = vector.broadcast %broadcast_in_dim3A_335 : i1 to vector<16xi1>
      %unique3A_337, %unique3A_338 = tpu.scan_count mask(%broadcast_in_dim3A_336 : vector<16xi1>) value(%get3A_334 : vector<16xi32>) : vector<16xi1>, vector<16xi32>
      %convert_element_type3A_339 = arith.sitofp %unique3A_338 : vector<16xi32> to vector<16xf32>
      tpu.vector_store_idx %arg14[%get3A_334], %convert_element_type3A_339 masked %unique3A_337 {add = true} : memref<10000xf32, #tpu.memory_space<vmem>>[vector<16xi32>], vector<16xf32>, vector<16xi1>
      %get3A_340 = arith.constant 48 : index
      %get3A_341 = tpu.vector_load %arg13[%get3A_340] {strides = array<i32>} : memref<80xi32, #tpu.memory_space<vmem>>, vector<16xi32>,
      %broadcast_in_dim3A_342 = arith.constant true
      %broadcast_in_dim3A_343 = vector.broadcast %broadcast_in_dim3A_342 : i1 to vector<16xi1>
      %unique3A_344, %unique3A_345 = tpu.scan_count mask(%broadcast_in_dim3A_343 : vector<16xi1>) value(%get3A_341 : vector<16xi32>) : vector<16xi1>, vector<16xi32>
      %convert_element_type3A_346 = arith.sitofp %unique3A_345 : vector<16xi32> to vector<16xf32>
      tpu.vector_store_idx %arg14[%get3A_341], %convert_element_type3A_346 masked %unique3A_344 {add = true} : memref<10000xf32, #tpu.memory_space<vmem>>[vector<16xi32>], vector<16xf32>, vector<16xi1>
      %get3A_347 = arith.constant 64 : index
      %get3A_348 = tpu.vector_load %arg13[%get3A_347] {strides = array<i32>} : memref<80xi32, #tpu.memory_space<vmem>>, vector<16xi32>,
      %broadcast_in_dim3A_349 = arith.constant true
      %broadcast_in_dim3A_350 = vector.broadcast %broadcast_in_dim3A_349 : i1 to vector<16xi1>
      %unique3A_351, %unique3A_352 = tpu.scan_count mask(%broadcast_in_dim3A_350 : vector<16xi1>) value(%get3A_348 : vector<16xi32>) : vector<16xi1>, vector<16xi32>
      %convert_element_type3A_353 = arith.sitofp %unique3A_352 : vector<16xi32> to vector<16xf32>
      tpu.vector_store_idx %arg14[%get3A_348], %convert_element_type3A_353 masked %unique3A_351 {add = true} : memref<10000xf32, #tpu.memory_space<vmem>>[vector<16xi32>], vector<16xf32>, vector<16xi1>
      %scan3A_354 = arith.constant 0 : i32
      scf.yield %scan3A_354 : i32
    }
    %scan3A_60 = arith.constant 41 : i32
    %dma_wait3A = arith.constant 0 : i32
    %dma_wait3A_61 = arith.constant 0 : i32
    %dma_wait3A_62 = tpu.memref_slice %arg2[%dma_wait3A, %dma_wait3A_61] : memref<320000x128xf32, #tpu.memory_space<hbm>> -> memref<80x128xf32, #tpu.memory_space<hbm>>
    %dma_wait3A_63 = arith.constant 0 : i32
    %dma_wait3A_64 = arith.constant 0 : i32
    %dma_wait3A_65 = tpu.memref_slice %arg2[%dma_wait3A_63, %dma_wait3A_64] : memref<320000x128xf32, #tpu.memory_space<hbm>> -> memref<80x128xf32, #tpu.memory_space<hbm>>
    tpu.wait_dma2 semaphore(%arg15 : memref<!tpu.dma_semaphore, #tpu.memory_space<semaphore_mem>>) src(%dma_wait3A_65 : memref<80x128xf32, #tpu.memory_space<hbm>>) dst(%arg8 : memref<80x128xf32, #tpu.memory_space<vmem>>)
    %dma_wait3A_66 = arith.constant 0 : i32
    %dma_wait3A_67 = tpu.memref_slice %arg3[%dma_wait3A_66] : memref<320000xi32, #tpu.memory_space<hbm>> -> memref<80xi32, #tpu.memory_space<hbm>>
    %dma_wait3A_68 = arith.constant 0 : i32
    %dma_wait3A_69 = tpu.memref_slice %arg3[%dma_wait3A_68] : memref<320000xi32, #tpu.memory_space<hbm>> -> memref<80xi32, #tpu.memory_space<hbm>>
    tpu.wait_dma2 semaphore(%arg18 : memref<!tpu.dma_semaphore, #tpu.memory_space<semaphore_mem>>) src(%dma_wait3A_69 : memref<80xi32, #tpu.memory_space<hbm>>) dst(%arg11 : memref<80xi32, #tpu.memory_space<vmem>>)
    %dma_start3A_70 = arith.constant 0 : i32
    %dma_start3A_71 = arith.constant 0 : i32
    %dma_start3A_72 = tpu.memref_slice %arg7[%dma_start3A_70, %dma_start3A_71] : memref<10000x128xf32, #tpu.memory_space<vmem_shared>> -> memref<10000x128xf32, #tpu.memory_space<vmem_shared>>
    tpu.enqueue_indirect_dma source(%arg8 : memref<80x128xf32, #tpu.memory_space<vmem>>) target(%dma_start3A_72 : memref<10000x128xf32, #tpu.memory_space<vmem_shared>>) offsets(%arg11 : memref<80xi32, #tpu.memory_space<vmem>>) semaphore(%arg21 : memref<!tpu.dma_semaphore, #tpu.memory_space<semaphore_mem>>) {add = true}
    %get3A = arith.constant 0 : index
    %get3A_73 = tpu.vector_load %arg11[%get3A] {strides = array<i32>} : memref<80xi32, #tpu.memory_space<vmem>>, vector<16xi32>,
    %broadcast_in_dim3A = arith.constant true
    %broadcast_in_dim3A_74 = vector.broadcast %broadcast_in_dim3A : i1 to vector<16xi1>
    %unique3A, %unique3A_75 = tpu.scan_count mask(%broadcast_in_dim3A_74 : vector<16xi1>) value(%get3A_73 : vector<16xi32>) : vector<16xi1>, vector<16xi32>
    %convert_element_type3A = arith.sitofp %unique3A_75 : vector<16xi32> to vector<16xf32>
    tpu.vector_store_idx %arg14[%get3A_73], %convert_element_type3A masked %unique3A {add = true} : memref<10000xf32, #tpu.memory_space<vmem>>[vector<16xi32>], vector<16xf32>, vector<16xi1>
    %get3A_76 = arith.constant 16 : index
    %get3A_77 = tpu.vector_load %arg11[%get3A_76] {strides = array<i32>} : memref<80xi32, #tpu.memory_space<vmem>>, vector<16xi32>,
    %broadcast_in_dim3A_78 = arith.constant true
    %broadcast_in_dim3A_79 = vector.broadcast %broadcast_in_dim3A_78 : i1 to vector<16xi1>
    %unique3A_80, %unique3A_81 = tpu.scan_count mask(%broadcast_in_dim3A_79 : vector<16xi1>) value(%get3A_77 : vector<16xi32>) : vector<16xi1>, vector<16xi32>
    %convert_element_type3A_82 = arith.sitofp %unique3A_81 : vector<16xi32> to vector<16xf32>
    tpu.vector_store_idx %arg14[%get3A_77], %convert_element_type3A_82 masked %unique3A_80 {add = true} : memref<10000xf32, #tpu.memory_space<vmem>>[vector<16xi32>], vector<16xf32>, vector<16xi1>
    %get3A_83 = arith.constant 32 : index
    %get3A_84 = tpu.vector_load %arg11[%get3A_83] {strides = array<i32>} : memref<80xi32, #tpu.memory_space<vmem>>, vector<16xi32>,
    %broadcast_in_dim3A_85 = arith.constant true
    %broadcast_in_dim3A_86 = vector.broadcast %broadcast_in_dim3A_85 : i1 to vector<16xi1>
    %unique3A_87, %unique3A_88 = tpu.scan_count mask(%broadcast_in_dim3A_86 : vector<16xi1>) value(%get3A_84 : vector<16xi32>) : vector<16xi1>, vector<16xi32>
    %convert_element_type3A_89 = arith.sitofp %unique3A_88 : vector<16xi32> to vector<16xf32>
    tpu.vector_store_idx %arg14[%get3A_84], %convert_element_type3A_89 masked %unique3A_87 {add = true} : memref<10000xf32, #tpu.memory_space<vmem>>[vector<16xi32>], vector<16xf32>, vector<16xi1>
    %get3A_90 = arith.constant 48 : index
    %get3A_91 = tpu.vector_load %arg11[%get3A_90] {strides = array<i32>} : memref<80xi32, #tpu.memory_space<vmem>>, vector<16xi32>,
    %broadcast_in_dim3A_92 = arith.constant true
    %broadcast_in_dim3A_93 = vector.broadcast %broadcast_in_dim3A_92 : i1 to vector<16xi1>
    %unique3A_94, %unique3A_95 = tpu.scan_count mask(%broadcast_in_dim3A_93 : vector<16xi1>) value(%get3A_91 : vector<16xi32>) : vector<16xi1>, vector<16xi32>
    %convert_element_type3A_96 = arith.sitofp %unique3A_95 : vector<16xi32> to vector<16xf32>
    tpu.vector_store_idx %arg14[%get3A_91], %convert_element_type3A_96 masked %unique3A_94 {add = true} : memref<10000xf32, #tpu.memory_space<vmem>>[vector<16xi32>], vector<16xf32>, vector<16xi1>
    %get3A_97 = arith.constant 64 : index
    %get3A_98 = tpu.vector_load %arg11[%get3A_97] {strides = array<i32>} : memref<80xi32, #tpu.memory_space<vmem>>, vector<16xi32>,
    %broadcast_in_dim3A_99 = arith.constant true
    %broadcast_in_dim3A_100 = vector.broadcast %broadcast_in_dim3A_99 : i1 to vector<16xi1>
    %unique3A_101, %unique3A_102 = tpu.scan_count mask(%broadcast_in_dim3A_100 : vector<16xi1>) value(%get3A_98 : vector<16xi32>) : vector<16xi1>, vector<16xi32>
    %convert_element_type3A_103 = arith.sitofp %unique3A_102 : vector<16xi32> to vector<16xf32>
    tpu.vector_store_idx %arg14[%get3A_98], %convert_element_type3A_103 masked %unique3A_101 {add = true} : memref<10000xf32, #tpu.memory_space<vmem>>[vector<16xi32>], vector<16xf32>, vector<16xi1>
    %dma_wait3A_104 = arith.constant 0 : i32
    %dma_wait3A_105 = arith.constant 0 : i32
    %dma_wait3A_106 = tpu.memref_slice %arg2[%dma_wait3A_104, %dma_wait3A_105] : memref<320000x128xf32, #tpu.memory_space<hbm>> -> memref<80x128xf32, #tpu.memory_space<hbm>>
    %dma_wait3A_107 = arith.constant 0 : i32
    %dma_wait3A_108 = arith.constant 0 : i32
    %dma_wait3A_109 = tpu.memref_slice %arg2[%dma_wait3A_107, %dma_wait3A_108] : memref<320000x128xf32, #tpu.memory_space<hbm>> -> memref<80x128xf32, #tpu.memory_space<hbm>>
    tpu.wait_dma2 semaphore(%arg16 : memref<!tpu.dma_semaphore, #tpu.memory_space<semaphore_mem>>) src(%dma_wait3A_109 : memref<80x128xf32, #tpu.memory_space<hbm>>) dst(%arg9 : memref<80x128xf32, #tpu.memory_space<vmem>>)
    %dma_wait3A_110 = arith.constant 0 : i32
    %dma_wait3A_111 = tpu.memref_slice %arg3[%dma_wait3A_110] : memref<320000xi32, #tpu.memory_space<hbm>> -> memref<80xi32, #tpu.memory_space<hbm>>
    %dma_wait3A_112 = arith.constant 0 : i32
    %dma_wait3A_113 = tpu.memref_slice %arg3[%dma_wait3A_112] : memref<320000xi32, #tpu.memory_space<hbm>> -> memref<80xi32, #tpu.memory_space<hbm>>
    tpu.wait_dma2 semaphore(%arg19 : memref<!tpu.dma_semaphore, #tpu.memory_space<semaphore_mem>>) src(%dma_wait3A_113 : memref<80xi32, #tpu.memory_space<hbm>>) dst(%arg12 : memref<80xi32, #tpu.memory_space<vmem>>)
    %dma_start3A_114 = arith.constant 0 : i32
    %dma_start3A_115 = arith.constant 0 : i32
    %dma_start3A_116 = tpu.memref_slice %arg7[%dma_start3A_114, %dma_start3A_115] : memref<10000x128xf32, #tpu.memory_space<vmem_shared>> -> memref<10000x128xf32, #tpu.memory_space<vmem_shared>>
    tpu.enqueue_indirect_dma source(%arg9 : memref<80x128xf32, #tpu.memory_space<vmem>>) target(%dma_start3A_116 : memref<10000x128xf32, #tpu.memory_space<vmem_shared>>) offsets(%arg12 : memref<80xi32, #tpu.memory_space<vmem>>) semaphore(%arg22 : memref<!tpu.dma_semaphore, #tpu.memory_space<semaphore_mem>>) {add = true}
    %get3A_117 = arith.constant 0 : index
    %get3A_118 = tpu.vector_load %arg12[%get3A_117] {strides = array<i32>} : memref<80xi32, #tpu.memory_space<vmem>>, vector<16xi32>,
    %broadcast_in_dim3A_119 = arith.constant true
    %broadcast_in_dim3A_120 = vector.broadcast %broadcast_in_dim3A_119 : i1 to vector<16xi1>
    %unique3A_121, %unique3A_122 = tpu.scan_count mask(%broadcast_in_dim3A_120 : vector<16xi1>) value(%get3A_118 : vector<16xi32>) : vector<16xi1>, vector<16xi32>
    %convert_element_type3A_123 = arith.sitofp %unique3A_122 : vector<16xi32> to vector<16xf32>
    tpu.vector_store_idx %arg14[%get3A_118], %convert_element_type3A_123 masked %unique3A_121 {add = true} : memref<10000xf32, #tpu.memory_space<vmem>>[vector<16xi32>], vector<16xf32>, vector<16xi1>
    %get3A_124 = arith.constant 16 : index
    %get3A_125 = tpu.vector_load %arg12[%get3A_124] {strides = array<i32>} : memref<80xi32, #tpu.memory_space<vmem>>, vector<16xi32>,
    %broadcast_in_dim3A_126 = arith.constant true
    %broadcast_in_dim3A_127 = vector.broadcast %broadcast_in_dim3A_126 : i1 to vector<16xi1>
    %unique3A_128, %unique3A_129 = tpu.scan_count mask(%broadcast_in_dim3A_127 : vector<16xi1>) value(%get3A_125 : vector<16xi32>) : vector<16xi1>, vector<16xi32>
    %convert_element_type3A_130 = arith.sitofp %unique3A_129 : vector<16xi32> to vector<16xf32>
    tpu.vector_store_idx %arg14[%get3A_125], %convert_element_type3A_130 masked %unique3A_128 {add = true} : memref<10000xf32, #tpu.memory_space<vmem>>[vector<16xi32>], vector<16xf32>, vector<16xi1>
    %get3A_131 = arith.constant 32 : index
    %get3A_132 = tpu.vector_load %arg12[%get3A_131] {strides = array<i32>} : memref<80xi32, #tpu.memory_space<vmem>>, vector<16xi32>,
    %broadcast_in_dim3A_133 = arith.constant true
    %broadcast_in_dim3A_134 = vector.broadcast %broadcast_in_dim3A_133 : i1 to vector<16xi1>
    %unique3A_135, %unique3A_136 = tpu.scan_count mask(%broadcast_in_dim3A_134 : vector<16xi1>) value(%get3A_132 : vector<16xi32>) : vector<16xi1>, vector<16xi32>
    %convert_element_type3A_137 = arith.sitofp %unique3A_136 : vector<16xi32> to vector<16xf32>
    tpu.vector_store_idx %arg14[%get3A_132], %convert_element_type3A_137 masked %unique3A_135 {add = true} : memref<10000xf32, #tpu.memory_space<vmem>>[vector<16xi32>], vector<16xf32>, vector<16xi1>
    %get3A_138 = arith.constant 48 : index
    %get3A_139 = tpu.vector_load %arg12[%get3A_138] {strides = array<i32>} : memref<80xi32, #tpu.memory_space<vmem>>, vector<16xi32>,
    %broadcast_in_dim3A_140 = arith.constant true
    %broadcast_in_dim3A_141 = vector.broadcast %broadcast_in_dim3A_140 : i1 to vector<16xi1>
    %unique3A_142, %unique3A_143 = tpu.scan_count mask(%broadcast_in_dim3A_141 : vector<16xi1>) value(%get3A_139 : vector<16xi32>) : vector<16xi1>, vector<16xi32>
    %convert_element_type3A_144 = arith.sitofp %unique3A_143 : vector<16xi32> to vector<16xf32>
    tpu.vector_store_idx %arg14[%get3A_139], %convert_element_type3A_144 masked %unique3A_142 {add = true} : memref<10000xf32, #tpu.memory_space<vmem>>[vector<16xi32>], vector<16xf32>, vector<16xi1>
    %get3A_145 = arith.constant 64 : index
    %get3A_146 = tpu.vector_load %arg12[%get3A_145] {strides = array<i32>} : memref<80xi32, #tpu.memory_space<vmem>>, vector<16xi32>,
    %broadcast_in_dim3A_147 = arith.constant true
    %broadcast_in_dim3A_148 = vector.broadcast %broadcast_in_dim3A_147 : i1 to vector<16xi1>
    %unique3A_149, %unique3A_150 = tpu.scan_count mask(%broadcast_in_dim3A_148 : vector<16xi1>) value(%get3A_146 : vector<16xi32>) : vector<16xi1>, vector<16xi32>
    %convert_element_type3A_151 = arith.sitofp %unique3A_150 : vector<16xi32> to vector<16xf32>
    tpu.vector_store_idx %arg14[%get3A_146], %convert_element_type3A_151 masked %unique3A_149 {add = true} : memref<10000xf32, #tpu.memory_space<vmem>>[vector<16xi32>], vector<16xf32>, vector<16xi1>
    %dma_wait3A_152 = arith.constant 0 : i32
    %dma_wait3A_153 = arith.constant 0 : i32
    %dma_wait3A_154 = tpu.memref_slice %arg7[%dma_wait3A_152, %dma_wait3A_153] : memref<10000x128xf32, #tpu.memory_space<vmem_shared>> -> memref<10000x128xf32, #tpu.memory_space<vmem_shared>>
    tpu.wait_indirect_dma semaphore(%arg23 : memref<!tpu.dma_semaphore, #tpu.memory_space<semaphore_mem>>) src(%arg10 : memref<80x128xf32, #tpu.memory_space<vmem>>) dst(%dma_wait3A_154 : memref<10000x128xf32, #tpu.memory_space<vmem_shared>>)
    %dma_wait3A_155 = arith.constant 0 : i32
    %dma_wait3A_156 = arith.constant 0 : i32
    %dma_wait3A_157 = tpu.memref_slice %arg7[%dma_wait3A_155, %dma_wait3A_156] : memref<10000x128xf32, #tpu.memory_space<vmem_shared>> -> memref<10000x128xf32, #tpu.memory_space<vmem_shared>>
    tpu.wait_indirect_dma semaphore(%arg21 : memref<!tpu.dma_semaphore, #tpu.memory_space<semaphore_mem>>) src(%arg8 : memref<80x128xf32, #tpu.memory_space<vmem>>) dst(%dma_wait3A_157 : memref<10000x128xf32, #tpu.memory_space<vmem_shared>>)
    %dma_wait3A_158 = arith.constant 0 : i32
    %dma_wait3A_159 = arith.constant 0 : i32
    %dma_wait3A_160 = tpu.memref_slice %arg7[%dma_wait3A_158, %dma_wait3A_159] : memref<10000x128xf32, #tpu.memory_space<vmem_shared>> -> memref<10000x128xf32, #tpu.memory_space<vmem_shared>>
    tpu.wait_indirect_dma semaphore(%arg22 : memref<!tpu.dma_semaphore, #tpu.memory_space<semaphore_mem>>) src(%arg9 : memref<80x128xf32, #tpu.memory_space<vmem>>) dst(%dma_wait3A_160 : memref<10000x128xf32, #tpu.memory_space<vmem_shared>>)
    %barrier3A_161 = arith.constant 0 : index
    tpu.barrier barrier_id(%barrier3A_161)
    "tpu.region"() ({
      %run_scoped3A = tpu.sem_alloc : memref<!tpu.dma_semaphore, #tpu.memory_space<semaphore_mem>>
      %dma_start3A_168 = arith.constant 0 : i32
      %dma_start3A_169 = tpu.memref_slice %arg5[%arg0, %multiple_of3A_23, %dma_start3A_168] : memref<2x10000x128xf32, #tpu.memory_space<hbm>> -> memref<1x624x128xf32, #tpu.memory_space<hbm>>
      %dma_start3A_170 = tpu.memref_squeeze %dma_start3A_169 : memref<1x624x128xf32, #tpu.memory_space<hbm>> -> memref<624x128xf32, #tpu.memory_space<hbm>>
      %dma_start3A_171 = arith.constant 0 : i32
      %dma_start3A_172 = tpu.memref_slice %arg7[%multiple_of3A_23, %dma_start3A_171] : memref<10000x128xf32, #tpu.memory_space<vmem_shared>> -> memref<624x128xf32, #tpu.memory_space<vmem_shared>>
      tpu.enqueue_dma source(%dma_start3A_172 : memref<624x128xf32, #tpu.memory_space<vmem_shared>>) target(%dma_start3A_170 : memref<624x128xf32, #tpu.memory_space<hbm>>) target_semaphore(%run_scoped3A : memref<!tpu.dma_semaphore, #tpu.memory_space<semaphore_mem>>)
      %dma_wait3A_173 = arith.constant 0 : i32
      %dma_wait3A_174 = tpu.memref_slice %arg5[%arg0, %multiple_of3A_23, %dma_wait3A_173] : memref<2x10000x128xf32, #tpu.memory_space<hbm>> -> memref<1x624x128xf32, #tpu.memory_space<hbm>>
      %dma_wait3A_175 = tpu.memref_squeeze %dma_wait3A_174 : memref<1x624x128xf32, #tpu.memory_space<hbm>> -> memref<624x128xf32, #tpu.memory_space<hbm>>
      %dma_wait3A_176 = arith.constant 0 : i32
      %dma_wait3A_177 = tpu.memref_slice %arg7[%multiple_of3A_23, %dma_wait3A_176] : memref<10000x128xf32, #tpu.memory_space<vmem_shared>> -> memref<624x128xf32, #tpu.memory_space<vmem_shared>>
      tpu.wait_dma2 semaphore(%run_scoped3A : memref<!tpu.dma_semaphore, #tpu.memory_space<semaphore_mem>>) src(%dma_wait3A_177 : memref<624x128xf32, #tpu.memory_space<vmem_shared>>) dst(%dma_wait3A_175 : memref<624x128xf32, #tpu.memory_space<hbm>>)
      tpu.yield
    }) : () -> ()
    %eq3A = arith.constant 15 : i32
    %eq3A_162 = arith.cmpi eq, %arg1, %eq3A : i32
    %convert_element_type3A_163 = arith.extui %eq3A_162 : i1 to i32
    %cond3A = arith.constant 0 : i32
    %cond3A_164 = arith.cmpi ne, %convert_element_type3A_163, %cond3A : i32
    scf.if %cond3A_164 {
      "tpu.region"() ({
        %run_scoped3A = tpu.sem_alloc : memref<!tpu.dma_semaphore, #tpu.memory_space<semaphore_mem>>
        %dma_start3A_168 = arith.constant 9984 : i32
        %dma_start3A_169 = arith.constant 0 : i32
        %dma_start3A_170 = tpu.memref_slice %arg5[%arg0, %dma_start3A_168, %dma_start3A_169] : memref<2x10000x128xf32, #tpu.memory_space<hbm>> -> memref<1x16x128xf32, #tpu.memory_space<hbm>>
        %dma_start3A_171 = tpu.memref_squeeze %dma_start3A_170 : memref<1x16x128xf32, #tpu.memory_space<hbm>> -> memref<16x128xf32, #tpu.memory_space<hbm>>
        %dma_start3A_172 = arith.constant 9984 : i32
        %dma_start3A_173 = arith.constant 0 : i32
        %dma_start3A_174 = tpu.memref_slice %arg7[%dma_start3A_172, %dma_start3A_173] : memref<10000x128xf32, #tpu.memory_space<vmem_shared>> -> memref<16x128xf32, #tpu.memory_space<vmem_shared>>
        tpu.enqueue_dma source(%dma_start3A_174 : memref<16x128xf32, #tpu.memory_space<vmem_shared>>) target(%dma_start3A_171 : memref<16x128xf32, #tpu.memory_space<hbm>>) target_semaphore(%run_scoped3A : memref<!tpu.dma_semaphore, #tpu.memory_space<semaphore_mem>>)
        %dma_wait3A_175 = arith.constant 9984 : i32
        %dma_wait3A_176 = arith.constant 0 : i32
        %dma_wait3A_177 = tpu.memref_slice %arg5[%arg0, %dma_wait3A_175, %dma_wait3A_176] : memref<2x10000x128xf32, #tpu.memory_space<hbm>> -> memref<1x16x128xf32, #tpu.memory_space<hbm>>
        %dma_wait3A_178 = tpu.memref_squeeze %dma_wait3A_177 : memref<1x16x128xf32, #tpu.memory_space<hbm>> -> memref<16x128xf32, #tpu.memory_space<hbm>>
        %dma_wait3A_179 = arith.constant 9984 : i32
        %dma_wait3A_180 = arith.constant 0 : i32
        %dma_wait3A_181 = tpu.memref_slice %arg7[%dma_wait3A_179, %dma_wait3A_180] : memref<10000x128xf32, #tpu.memory_space<vmem_shared>> -> memref<16x128xf32, #tpu.memory_space<vmem_shared>>
        tpu.wait_dma2 semaphore(%run_scoped3A : memref<!tpu.dma_semaphore, #tpu.memory_space<semaphore_mem>>) src(%dma_wait3A_181 : memref<16x128xf32, #tpu.memory_space<vmem_shared>>) dst(%dma_wait3A_178 : memref<16x128xf32, #tpu.memory_space<hbm>>)
        tpu.yield
      }) : () -> ()
    } else {
    }
    %mul3A_165 = arith.constant 10000 : i32
    %mul3A_166 = arith.muli %add3A, %mul3A_165 : i32
    %multiple_of3A_167 = tpu.assume_multiple %mul3A_166, 8 : i32
    "tpu.region"() ({
      %run_scoped3A = tpu.sem_alloc : memref<!tpu.dma_semaphore, #tpu.memory_space<semaphore_mem>>
      %dma_start3A_168 = tpu.memref_slice %arg6[%multiple_of3A_167] : memref<320000xf32, #tpu.memory_space<hbm>> -> memref<10000xf32, #tpu.memory_space<hbm>>
      %dma_start3A_169 = tpu.memref_slice %arg6[%multiple_of3A_167] : memref<320000xf32, #tpu.memory_space<hbm>> -> memref<10000xf32, #tpu.memory_space<hbm>>
      tpu.enqueue_dma source(%arg14 : memref<10000xf32, #tpu.memory_space<vmem>>) target(%dma_start3A_169 : memref<10000xf32, #tpu.memory_space<hbm>>) target_semaphore(%run_scoped3A : memref<!tpu.dma_semaphore, #tpu.memory_space<semaphore_mem>>)
      %dma_wait3A_170 = tpu.memref_slice %arg6[%multiple_of3A_167] : memref<320000xf32, #tpu.memory_space<hbm>> -> memref<10000xf32, #tpu.memory_space<hbm>>
      %dma_wait3A_171 = tpu.memref_slice %arg6[%multiple_of3A_167] : memref<320000xf32, #tpu.memory_space<hbm>> -> memref<10000xf32, #tpu.memory_space<hbm>>
      tpu.wait_dma2 semaphore(%run_scoped3A : memref<!tpu.dma_semaphore, #tpu.memory_space<semaphore_mem>>) src(%arg14 : memref<10000xf32, #tpu.memory_space<vmem>>) dst(%dma_wait3A_171 : memref<10000xf32, #tpu.memory_space<hbm>>)
      tpu.yield
    }) : () -> ()
    return
  }
}

module attributes {stable_mosaic.version = 14 : i64} {
  func.func @_div_body(%arg0: memref<2x10000x128xf32, #tpu.memory_space<vmem>>, %arg1: memref<32x10000xf32, #tpu.memory_space<vmem>>, %arg2: memref<10000x128xf32, #tpu.memory_space<vmem>>) attributes {dimension_semantics = [], scalar_prefetch = 0 : i64, scratch_operands = 0 : i64, tpu.core_type = #tpu.core_type<tc>} {
    %get3A = arith.constant 0 : index
    %get3A_0 = arith.constant 0 : index
    %get3A_1 = arith.constant 0 : index
    %get3A_2 = vector.load %arg0[%get3A, %get3A_0, %get3A_1] : memref<2x10000x128xf32, #tpu.memory_space<vmem>>, vector<1x10000x128xf32>
    %get3A_3 = vector.shape_cast %get3A_2 : vector<1x10000x128xf32> to vector<10000x128xf32>
    %get3A_4 = arith.constant 1 : index
    %get3A_5 = arith.constant 0 : index
    %get3A_6 = arith.constant 0 : index
    %get3A_7 = vector.load %arg0[%get3A_4, %get3A_5, %get3A_6] : memref<2x10000x128xf32, #tpu.memory_space<vmem>>, vector<1x10000x128xf32>
    %get3A_8 = vector.shape_cast %get3A_7 : vector<1x10000x128xf32> to vector<10000x128xf32>
    %add3A = arith.addf %get3A_3, %get3A_8 : vector<10000x128xf32>
    %get3A_9 = arith.constant 0 : index
    %get3A_10 = arith.constant 0 : index
    %get3A_11 = vector.load %arg1[%get3A_9, %get3A_10] : memref<32x10000xf32, #tpu.memory_space<vmem>>, vector<32x10000xf32>
    %reduce_sum3A = arith.constant dense<0.000000e+00> : vector<10000xf32>
    %reduce_sum3A_12 = vector.multi_reduction <add>, %get3A_11, %reduce_sum3A [0] : vector<32x10000xf32> to vector<10000xf32>
    %broadcast_in_dim3A = vector.shape_cast %reduce_sum3A_12 : vector<10000xf32> to vector<10000x1xf32>
    %div3A = vector.broadcast %broadcast_in_dim3A : vector<10000x1xf32> to vector<10000x128xf32>
    %div3A_13 = arith.divf %add3A, %div3A : vector<10000x128xf32>
    %swap3A = arith.constant 0 : index
    %swap3A_14 = arith.constant 0 : index
    %swap3A_15 = vector.load %arg2[%swap3A, %swap3A_14] : memref<10000x128xf32, #tpu.memory_space<vmem>>, vector<10000x128xf32>
    tpu.vector_store %arg2[%swap3A, %swap3A_14], %div3A_13 {strides = array<i32>} : memref<10000x128xf32, #tpu.memory_space<vmem>>, vector<10000x128xf32>,
    return
  }
}

</mosaic_0001>

<sc_bundles>
// kernel: kernel.4.cloned.1.call-start
scs
__scs_entry_jumppad:
0x0: {  	(pc) =	sbr.rel $0x88, $3  }
0x1: {  	(tag) =	ssettag $0x0;
	lr =	simm.s32 $0x1  }
0x2: {  	[smem:$0x3F9F] =	sst lr;
	_ =	strace $0xD0000000  }
0x3: {  	_ = 	snop  }
0x4: {  	_ = 	snop  }
0x5: {  	_ = 	snop  }
0x6: {  	_ = 	snop  }
0x7: {  	_ = 	snop  }
__scs_overlays_trampoline_lowered:
0x8: {  	[smem:$0x3FAE] =	sst s0  }
0x9: {  	[smem:$0x3FAF] =	sst s1  }
0xa: {  	[smem:$0x3FB0] =	sst s2  }
0xb: {  	[smem:$0x3FB1] =	sst s3  }
0xc: {  	[smem:$0x3FB2] =	sst s4  }
0xd: {  	[smem:$0x3FB3] =	sst s5  }
0xe: {  	[smem:$0x3FB4] =	sst s6  }
0xf: {  	[smem:$0x3FB5] =	sst s7  }
0x10: {  	[smem:$0x3FB6] =	sst s8  }
0x11: {  	[smem:$0x3FB7] =	sst s9;
	s0 =	simm.s32 @!p0 $0x0  }
0x12: {  	s1 =	sld [smem:$0x3F9D];
	s0 =	simm.s32 @p0 $0x1  }
0x13: {  	[smem:$0x3FB8] =	sst s0;
	s0 =	simm.s32 @!p1 $0x0  }
0x14: {  	s2 =	sld [smem:$0x3F9C];
	s0 =	simm.s32 @p1 $0x1  }
0x15: {  	[smem:$0x3FB9] =	sst s0;
	s0 =	simm.s32 @!p2 $0x0  }
0x16: {  	s3 =	sld [smem:$0x3FDB];
	s0 =	simm.s32 @p2 $0x1  }
0x17: {  	s4 =	simm.s32 $0x1BF5;
	[smem:$0x3FBB] =	sst s0  }
0x18: {  	s0 =	sld [smem:$0x3F9E];
	_ =	swait.ge [sflag:s4], $0x0  }
0x19: {  	s7 =	sld [smem:$0x3F9F]  }
0x1a: {  	s8 =	sadd.s32 $0xFFFFE003, lr  }
0x1b: {  	s9 =	sadd.s32 $0xFFFFFEF7, lr;
	s5 =	simm.s32 $0xFFFFFFFF;
	p2 =	slt.u32 s8, $0xFFFFF086  }
0x1c: {  	p1 =	slt.u32 s9, $0xF7A;
	s5 =	simm.s32 @!p2 $0x0  }
0x1d: {  	s5 =	simm.s32 @p1 $0x1;
	p0 =	seq.s32 s7, s2  }
0x1e: {  	s7 =	smul.u32 @!p0 $0xF7A, s2;
	p2 =	seq.s32 @!p0 s5, $0x0  }
0x1f: {  	s9 =	smul.u32 $0xF7A, s1;
	s8 =	simm.s32 @!p0 $0x1BF5;
	p2 =	por !p2, p0  }
0x20: {  	[sflag:s8] =	ssyncset.s32 @!p0 $0xFFFFF086;
	s6 =	sadd.s32 @!p0 s3, s7;
	s7 =	simm.s32 @!p0 $0x108  }
0x21: {  	s3 =	sadd.s32 s3, s9;
	s6 =	sadd.s32 @!p0 $0x88, s6;
	s7 =	simm.s32 @p2 $0x1082  }
0x22: {  	[simem:s7], [sflag:s8] =	dma.local @!p0 [hbm:s6], $0xF7A  }
0x23: {  	s9 =	sor.u32 $0xD0000000, s2;
	s6 =	simm.s32 $0x108;
	_ =	swait.ge @!p0 [sflag:s8], $0x0  }
0x24: {  	s3 =	sadd.s32 $0x88, s3;
	s6 =	simm.s32 @!p1 $0x1082;
	[sflag:s4] =	ssyncset.s32 $0xFFFFF086  }
0x25: {  	[simem:s6], [sflag:s4] =	dma.local [hbm:s3], $0xF7A  }
0x26: {  	[smem:$0x3F9F] =	sst s1;
	(tag) =	ssettag s2;
	_ =	strace s9  }
0x27: {  	s1 =	sld [smem:$0x3FAF]  }
0x28: {  	s2 =	sld [smem:$0x3FB0]  }
0x29: {  	s4 =	sld [smem:$0x3FB2]  }
0x2a: {  	p0 =	seq.s32 s5, $0x0;
	s5 =	sld [smem:$0x3FB3]  }
0x2b: {  	s6 =	sld [smem:$0x3FB4]  }
0x2c: {  	s7 =	sld [smem:$0x3FB5]  }
0x2d: {  	s3 =	simm.s32 $0x108;
	s8 =	sld [smem:$0x3FB6]  }
0x2e: {  	s3 =	simm.s32 @!p0 $0x1082;
	s9 =	sld [smem:$0x3FB7]  }
0x2f: {  	lr =	sadd.s32 s0, s3;
	s0 =	sld [smem:$0x3FAE]  }
0x30: {  	s3 =	sld [smem:$0x3FB1]  }
0x31: {  	[smem:$0x3FBA] =	sst s10  }
0x32: {  	s10 =	sld [smem:$0x3FB8];
	_ =	sdelay $0x3  }
0x33: {  	p0 =	seq.s32 s10, $0x1;
	s10 =	sld [smem:$0x3FBA];
	_ =	sdelay $0x3  }
0x34: {  	[smem:$0x3FBA] =	sst s10  }
0x35: {  	s10 =	sld [smem:$0x3FB9];
	_ =	sdelay $0x3  }
0x36: {  	p1 =	seq.s32 s10, $0x1;
	s10 =	sld [smem:$0x3FBA];
	_ =	sdelay $0x3  }
0x37: {  	[smem:$0x3FBA] =	sst s10  }
0x38: {  	s10 =	sld [smem:$0x3FBB]  }
0x39: {  	_ = 	snop;
	(pc) =	sbr.ind lr, $3  }
0x3a: {  	_ = 	snop  }
0x3b: {  	_ = 	snop  }
0x3c: {  	p2 =	seq.s32 s10, $0x1;
	s10 =	sld [smem:$0x3FBA]  }
0x3d: {  	_ =	shalt  }
0x3e: {  	_ =	shalt  }
0x3f: {  	_ =	shalt  }
0x40: {  	_ =	shalt  }
0x41: {  	_ =	shalt  }
0x42: {  	_ =	shalt  }
0x43: {  	_ =	shalt  }
0x44: {  	_ =	shalt  }
0x45: {  	_ =	shalt  }
0x46: {  	_ =	shalt  }
0x47: {  	_ =	shalt  }
0x48: {  	_ =	shalt  }
0x49: {  	_ =	shalt  }
0x4a: {  	_ =	shalt  }
0x4b: {  	_ =	shalt  }
0x4c: {  	_ =	shalt  }
0x4d: {  	_ =	shalt  }
0x4e: {  	_ =	shalt  }
0x4f: {  	_ =	shalt  }
0x50: {  	_ =	shalt  }
0x51: {  	_ =	shalt  }
0x52: {  	_ =	shalt  }
0x53: {  	_ =	shalt  }
0x54: {  	_ =	shalt  }
0x55: {  	_ =	shalt  }
0x56: {  	_ =	shalt  }
0x57: {  	_ =	shalt  }
0x58: {  	_ =	shalt  }
0x59: {  	_ =	shalt  }
0x5a: {  	_ =	shalt  }
0x5b: {  	_ =	shalt  }
0x5c: {  	_ =	shalt  }
0x5d: {  	_ =	shalt  }
0x5e: {  	_ =	shalt  }
0x5f: {  	_ =	shalt  }
0x60: {  	_ =	shalt  }
0x61: {  	_ =	shalt  }
0x62: {  	_ =	shalt  }
0x63: {  	_ =	shalt  }
0x64: {  	_ =	shalt  }
0x65: {  	_ =	shalt  }
0x66: {  	_ =	shalt  }
0x67: {  	_ =	shalt  }
0x68: {  	_ =	shalt  }
0x69: {  	_ =	shalt  }
0x6a: {  	_ =	shalt  }
0x6b: {  	_ =	shalt  }
0x6c: {  	_ =	shalt  }
0x6d: {  	_ =	shalt  }
0x6e: {  	_ =	shalt  }
0x6f: {  	_ =	shalt  }
0x70: {  	_ =	shalt  }
0x71: {  	_ =	shalt  }
0x72: {  	_ =	shalt  }
0x73: {  	_ =	shalt  }
0x74: {  	_ =	shalt  }
0x75: {  	_ =	shalt  }
0x76: {  	_ =	shalt  }
0x77: {  	_ =	shalt  }
0x78: {  	_ =	shalt  }
0x79: {  	_ =	shalt  }
0x7a: {  	_ =	shalt  }
0x7b: {  	_ =	shalt  }
0x7c: {  	_ =	shalt  }
0x7d: {  	_ =	shalt  }
0x7e: {  	_ =	shalt  }
0x7f: {  	_ =	shalt  }
0x80: {  	_ =	shalt  }
0x81: {  	_ =	shalt  }
0x82: {  	_ =	shalt  }
0x83: {  	_ =	shalt  }
0x84: {  	_ =	shalt  }
0x85: {  	_ =	shalt  }
0x86: {  	_ =	shalt  }
0x87: {  	_ =	shalt  }
.Lfunc_end0:
.L_simem_size_0:
called_computation_lowered:
.L_overlay_start_0:
0x88: {  	s2 =	sld [smem:$0x3FD9]  }
0x89: {  	s3 =	sld [smem:$0x3FFE];
	_ =	sdelay $0x1  }
0x8a: {  	s1 =	srdreg.scid  }
0x8b: {  	s0 =	sand.u32 $0x1, s1  }
0x8c: {  	s17 =	sshll.u32 s0, $0xA;
	s2 =	sadd.s32 s3, s2  }
0x8d: {  	s2 =	sadd.s32 s2, s17  }
0x8e: {  	[smem:$0x3FC6] =	sst s2  }
0x8f: {  	_ = 	snop  }
0x90: {  	s2 =	sld [smem:$0x3FC9]  }
0x91: {  	s18 =	sld [smem:$0x3FC8]  }
0x92: {  	s4 =	sld [smem:$0x3FD0];
	(tm) =	ssettm $0x1  }
0x93: {  	s5 =	sld [smem:$0x3FFB];
	_ =	sdelay $0x3  }
0x94: {  	_ =	strace s5  }
0x95: {  	s5 =	sld [smem:$0x3FFC];
	_ =	sdelay $0x3  }
0x96: {  	_ =	strace s5  }
0x97: {  	s5 =	sld [smem:$0x3FFD];
	_ =	sdelay $0x3  }
0x98: {  	_ =	strace s5  }
0x99: {  	_ =	strace $0x8FFFFFFF  }
0x9a: {  	s19 =	sld [smem:$0x3FDB];
	_ =	sdelay $0x1  }
0x9b: {  	s6 =	simm.s32 $_scs_section_size  }
0x9c: {  	s7 =	simm.s32 $_size__tile_overlayer_lowered;
	s8 =	simm.s32 $_tile_overlayer_lowered  }
0x9d: {  	s22 =	simm.s32 $0x1BFF;
	s21 =	sshll.u32 s8, $0x1;
	s5 =	sadd.s32 s6, s19  }
0x9e: {  	s9 =	simm.s32 $0x0;
	s20 =	sshll.u32 s7, $0x1;
	s7 =	sadd.s32 s21, s5  }
0x9f: {  	[timem:s9], [sflag:s22] =	dma.local [hbm:s7], s20  }
0xa0: {  	_ =	swait.ge [sflag:s22], s20  }
0xa1: {  	s6 =	ssub.s32 $0x0, s20;
	[sflag:s22] =	ssyncset.done $0x0  }
0xa2: {  	[sflag:s22] =	ssyncadd.s32 s6;
	_ =	sdelay $0x1  }
0xa3: {  	s23 =	simm.s32 $0x1B8B  }
0xa4: {  	_ =	swait.ge [sflag:s23], $0x1  }
0xa5: {  	[sflag:s23] =	ssyncset.done $0x0  }
0xa6: {  	s25 =	simm.s32 $0x1B8E;
	s24 =	sld [smem:$0x3FFE];
	[sflag:s23] =	ssyncadd.s32 $0xFFFFFFFF  }
0xa7: {  	s26 =	simm.s32 $execute0_lowered;
	[smem:$0x3FD2] =	sst s25  }
0xa8: {  	s7 =	sshll.u32 s26, $0x1;
	_ =	strace $0x80000046;
	[dreg:$0x1] =	wrdreg $0xFFFFFFFF  }
0xa9: {  	s28 =	simm.s32 $_size_execute0_lowered;
	s5 =	sadd.s32 s5, s7;
	[dreg:$0x0] =	wrdreg $0x0  }
0xaa: {  	s7 =	sshll.u32 s28, $0x1;
	[dreg:$0x2] =	wrdreg s5  }
0xab: {  	[dreg:$0x3] =	wrdreg s7  }
0xac: {  	[dreg:$0x4] =	wrdreg $0xC0  }
0xad: {  	_ =	task [dreg:s9], $0x5FFFF  }
0xae: {  	[dreg:$0x1] =	wrdreg $0xFFFFFFFF  }
0xaf: {  	[dreg:$0x0] =	wrdreg $0x60  }
0xb0: {  	[dreg:$0x2] =	wrdreg s2  }
0xb1: {  	[dreg:$0x3] =	wrdreg s18  }
0xb2: {  	[dreg:$0x4] =	wrdreg s24  }
0xb3: {  	[dreg:$0x5] =	wrdreg s4  }
0xb4: {  	[dreg:$0x6] =	wrdreg $0x0  }
0xb5: {  	[dreg:$0x7] =	wrdreg $0x9  }
0xb6: {  	_ =	task.clear_ibuf [dreg:s9], $0x8FFFF;
	_ =	strace $0x90000046  }
0xb7: {  	s29 =	simm.s32 $0x9;
	_ =	strace $0x80000048  }
0xb8: {  	_ =	swait.ge [sflag:s29], $0x1  }
0xb9: {  	[sflag:s29] =	ssyncadd.s32 $0xFFFFFFFF  }
0xba: {  	_ =	strace $0x90000048  }
0xbb: {  	_ =	sfence  }
0xbc: {  	s30 =	sld [smem:$0x0];
	_ =	sdelay $0x2  }
0xbd: {  	s31 =	sshll.u32 s1, $0xD;
	s1 =	sshrl.u32 s1, $0x2  }
0xbe: {  	s3 =	sand.u32 $0x4000, s31;
	s1 =	sadd.s32 s1, s30  }
0xbf: {  	s0 =	sor.u32 s3, s0;
	s1 =	sshll.u32 s1, $0x11  }
0xc0: {  	s0 =	sor.u32 s1, s0  }
0xc1: {  	s0 =	sadd.s32 $0x8F2B, s0  }
0xc2: {  	[sflag:s0] =	ssyncadd.remote.s32 $0x1  }
0xc3: {  	_ =	sfence.sel $0xFFFF  }
0xc4: {  	[dreg:$0x0] =	wrdreg $0xFFFFFFFF;
	(pc) =	sbr.abs _section_cstart, $3  }
0xc5: {  	[dreg:$0x1] =	wrdreg $0xFFFFFFFF  }
0xc6: {  	_ =	task.clear_ibuf [dreg:s9], $0x2FFFF;
	_ =	strace $0x9FFFFFFF  }
0xc7: {  	(tm) =	ssettm $0x7FFFFFFF  }
tec
execute0_lowered:
.L_overlay_start_1:
0x0: {  	(tag) =	ssettag $0x1  }
0x1: {  	s0 =	rddreg [dreg:$0x0]  }
0x2: {  	s1 =	rddreg [dreg:$0x1]  }
0x3: {  	s4 =	rddreg [dreg:$0x2]  }
0x4: {  	s5 =	rddreg [dreg:$0x3]  }
0x5: {  	s2 =	rddreg [dreg:$0x4]  }
0x6: {  	s6 =	srdreg.scid;
	s13 =	stileid.u32  }
0x7: {  	s3 =	simm.s32 $0x0;
	s28 =	simm.s32 $0x1B100;
	s29 =	simm.s32 $0x18880  }
0x8: {  	s30 =	simm.s32 $0xA;
	s31 =	simm.s32 $0x1;
	s24 =	smul.u32 $0x4E000, s13  }
0x9: {  	s6 =	sand.u32 $0x1, s6;
	s7 =	sshll.u32 s13, $0x1;
	s17 =	smul.u32 $0x13800, s13  }
0xa: {  	[smem:$0x7FF] =	sst s3;
	s7 =	sor.u32 s6, s7;
	s14 =	smul.u32 $0x138800, s6  }
0xb: {  	s9 =	sadd.s32 $0xA00, s4;
	s4 =	sadd.s32 $0x1000, s4;
	s8 =	smul.u32 $0x500, s7  }
0xc: {  	p0 =	sne.s32 s13, $0xF;
	s22 =	ssub.s32 $0x2, s6;
	s10 =	smul.u32 $0x50, s7  }
0xd: {  	_ =	strace $0x80000047;
	s11 =	sshrl.u32 s22, $0x1;
	s12 =	smul.u32 $0xA, s7  }
0xe: {  	[dreg:$0x6] =	wrdreg s9;
	s7 =	smul.u32 $0x4E2, s7;
	s11 =	ssub.s32 s22, s11  }
0xf: {  	s22 =	smul.u32 $0xA00, s13;
	s23 =	sadd.s32 $0xA00, s10;
	s8 =	sadd.s32 s0, s8  }
0x10: {  	s25 =	sadd.s32 s1, s12;
	s12 =	sshrl.u32 s24, $0x2;
	s10 =	sadd.s32 s17, s14  }
0x11: {  	s5 =	sadd.s32 s5, s7;
	s24 =	smul.u32 $0x500, s6;
	[dreg:$0x7] =	wrdreg s8  }
0x12: {  	s7 =	simm.s32 $0x5;
	[dreg:$0x8] =	wrdreg s25;
	s26 =	sshll.u32 s23, $0x4  }
0x13: {  	s9 =	sshrl.u32 s23, $0x3;
	s10 =	sshrl.u32 s10, $0x3;
	s23 =	smul.u32 $0x14, s13  }
0x14: {  	[dreg:$0x12] =	wrdreg s5;
	s5 =	simm.s32 $0x1B200;
	s13 =	simm.s32 $0x9  }
0x15: {  	s8 =	sadd.s32 s0, s26;
	s10 =	sadd.s32 s4, s10;
	s0 =	sadd.s32 s22, s0  }
0x16: {  	s26 =	smul.u32 $0xA, s6;
	s6 =	sadd.s32 $0x138000, s2;
	[dreg:$0x9] =	wrdreg s8  }
0x17: {  	s8 =	sadd.s32 s1, s9;
	s9 =	sadd.s32 s12, s2;
	[dreg:$0x11] =	wrdreg s10  }
0x18: {  	s1 =	sadd.s32 s23, s1;
	[dreg:$0xa] =	wrdreg s8;
	s15 =	sadd.s32 $0x2800, s9  }
0x19: {  	s0 =	sadd.s32 s24, s0;
	s16 =	sadd.s32 $0x5000, s9;
	[dreg:$0xb] =	wrdreg s15  }
0x1a: {  	s23 =	simm.s32 $0x13880;
	s18 =	sadd.s32 $0x7800, s9;
	[dreg:$0xc] =	wrdreg s16  }
0x1b: {  	s24 =	simm.s32 $0x1B080;
	s19 =	sadd.s32 $0xA000, s9;
	[dreg:$0xd] =	wrdreg s18  }
0x1c: {  	s10 =	simm.s32 $0x3;
	s20 =	sadd.s32 $0xC800, s9;
	[dreg:$0xe] =	wrdreg s19  }
0x1d: {  	s12 =	simm.s32 $0x8;
	s21 =	sadd.s32 $0xF000, s9;
	[dreg:$0xf] =	wrdreg s20  }
0x1e: {  	s8 =	sshrl.u32 s14, $0x3;
	s25 =	sadd.s32 $0x11800, s9;
	[dreg:$0x10] =	wrdreg s21  }
0x1f: {  	s14 =	simm.s32 $0x0;
	s4 =	sadd.s32 s4, s8;
	[dreg:$0x13] =	wrdreg s25  }
0x20: {  	s20 =	smax.u32 s11, $0x1;
	s21 =	sadd.s32 s26, s1;
	s16 =	sadd.s32 $0x28000, s0  }
0x21: {  	s25 =	sshrl.u32 @!p0 s6, $0x3;
	s26 =	simm.s32 $0x16080;
	s0 =	simm.s32 $0x4  }
0x22: {  	s1 =	simm.s32 $0x50;
	s6 =	simm.s32 $0x2;
	s8 =	simm.s32 $0x7  }
0x23: {  	v0 =	vimm.f32 $0.0e+00;
	s11 =	simm.s32 $0x6;
	s19 =	sadd.s32 $0x27000, s4;
	s4 =	simm.s32 $0x1B180  }
.LBB2_1:
0x24: {  	s15 =	rddreg [dreg:$0x7]  }
0x25: {  	[tilespmem:s23], [sflag:$0x1] =	stream.linear.gather [hbm4b:s15+s3], $0x2800, $0x38;
	[tilespmem:$0x1D980] =	vst v63  }
0x26: {  	s18 =	rddreg [dreg:$0x8]  }
0x27: {  	[tilespmem:s24], [sflag:$0x4] =	stream.linear.gather [hbm4b:s18+s3], $0x50, $0x38;
	[tilespmem:$0x1D980] =	vst v63  }
0x28: {  	s22 =	rddreg [dreg:$0x9]  }
0x29: {  	[tilespmem:s26], [sflag:$0x2] =	stream.linear.gather [hbm4b:s22+s3], $0x2800, $0x38;
	[tilespmem:$0x1D980] =	vst v63  }
0x2a: {  	s17 =	rddreg [dreg:$0xa]  }
0x2b: {  	[tilespmem:s28], [sflag:$0x5] =	stream.linear.gather [hbm4b:s17+s3], $0x50, $0x38;
	[tilespmem:$0x1D980] =	vst v63  }
0x2c: {  	s18 =	rddreg [dreg:$0x6]  }
0x2d: {  	[tilespmem:s29], [sflag:$0xA] =	stream.linear.gather [hbm4b:s18+s3], $0x2800, $0x38;
	[tilespmem:$0x1D980] =	vst v63  }
0x2e: {  	_ =	swait.ge [sflag:s30], $0x2800  }
0x2f: {  	[sflag:s30] =	ssyncset.done $0x0  }
0x30: {  	[sflag:s30] =	ssyncadd.s32 $0xFFFFD800  }
0x31: {  	[spmem:s9] =	stream.linear.scatter [tilespmem:s29], [sflag:$0xA], $0x2800, $0x38;
	[tilespmem:$0x1D980] =	vst v63  }
0x32: {  	_ =	swait.ge [sflag:s30], $0x2800  }
0x33: {  	[sflag:s30] =	ssyncset.done $0x0  }
0x34: {  	s22 =	rddreg [dreg:$0xb];
	[sflag:s30] =	ssyncadd.s32 $0xFFFFD800  }
0x35: {  	[spmem:s22] =	stream.linear.scatter [tilespmem:s29], [sflag:$0xA], $0x2800, $0x38;
	[tilespmem:$0x1D980] =	vst v63  }
0x36: {  	_ =	swait.ge [sflag:s30], $0x2800  }
0x37: {  	[sflag:s30] =	ssyncset.done $0x0  }
0x38: {  	s17 =	rddreg [dreg:$0xc];
	[sflag:s30] =	ssyncadd.s32 $0xFFFFD800  }
0x39: {  	[spmem:s17] =	stream.linear.scatter [tilespmem:s29], [sflag:$0xA], $0x2800, $0x38;
	[tilespmem:$0x1D980] =	vst v63  }
0x3a: {  	_ =	swait.ge [sflag:s30], $0x2800  }
0x3b: {  	[sflag:s30] =	ssyncset.done $0x0  }
0x3c: {  	s18 =	rddreg [dreg:$0xd];
	[sflag:s30] =	ssyncadd.s32 $0xFFFFD800  }
0x3d: {  	[spmem:s18] =	stream.linear.scatter [tilespmem:s29], [sflag:$0xA], $0x2800, $0x38;
	[tilespmem:$0x1D980] =	vst v63  }
0x3e: {  	_ =	swait.ge [sflag:s30], $0x2800  }
0x3f: {  	[sflag:s30] =	ssyncset.done $0x0  }
0x40: {  	s22 =	rddreg [dreg:$0xe];
	[sflag:s30] =	ssyncadd.s32 $0xFFFFD800  }
0x41: {  	[spmem:s22] =	stream.linear.scatter [tilespmem:s29], [sflag:$0xA], $0x2800, $0x38;
	[tilespmem:$0x1D980] =	vst v63  }
0x42: {  	_ =	swait.ge [sflag:s30], $0x2800  }
0x43: {  	[sflag:s30] =	ssyncset.done $0x0  }
0x44: {  	s17 =	rddreg [dreg:$0xf];
	[sflag:s30] =	ssyncadd.s32 $0xFFFFD800  }
0x45: {  	[spmem:s17] =	stream.linear.scatter [tilespmem:s29], [sflag:$0xA], $0x2800, $0x38;
	[tilespmem:$0x1D980] =	vst v63  }
0x46: {  	_ =	swait.ge [sflag:s30], $0x2800  }
0x47: {  	[sflag:s30] =	ssyncset.done $0x0  }
0x48: {  	s18 =	rddreg [dreg:$0x10];
	[sflag:s30] =	ssyncadd.s32 $0xFFFFD800  }
0x49: {  	[spmem:s18] =	stream.linear.scatter [tilespmem:s29], [sflag:$0xA], $0x2800, $0x38;
	[tilespmem:$0x1D980] =	vst v63  }
0x4a: {  	_ =	swait.ge [sflag:s30], $0x2800  }
0x4b: {  	[sflag:s30] =	ssyncset.done $0x0  }
0x4c: {  	s22 =	rddreg [dreg:$0x13];
	[sflag:s30] =	ssyncadd.s32 $0xFFFFD800  }
0x4d: {  	[spmem:s22] =	stream.linear.scatter [tilespmem:s29], [sflag:$0xA], $0x2800, $0x38;
	[tilespmem:$0x1D980] =	vst v63  }
0x4e: {  	_ =	swait.ge [sflag:s30], $0x2800  }
0x4f: {  	[sflag:s30] =	ssyncset.done $0x0  }
0x50: {  	s15 =	simm.s32 $0x40;
	s17 =	simm.s32 $0x0;
	[sflag:s30] =	ssyncadd.s32 $0xFFFFD800  }
.LBB2_2:
0x51: {  	p1 =	sne.s32 s15, $0x9C00;
	[tilespmem:s17+$0x1B200] =	vst v0;
	s17 =	smov.u32 s15;
	s15 =	sadd.s32 $0x40, s15  }
.Ltmp0:
0x52: {  	(pc) =	sbr.rel @p1 .LBB2_2-.Ltmp0, $2  }
0x53: {  	_ =	sdelay $0x2  }
0x54: {  	s17 =	sshra.s32 s17, $0x2  }
0x55: {  	[tilespmem:s17+$0x1B200] =	vst v0  }
0x56: {  	s15 =	simm.s32 $0x0;
	s22 =	smov.u32 s16;
	[bflag:$0x0] =	sbarrier.arrive $0xFFFF  }
.LBB2_4:
0x57: {  	_ =	swait.ge [sflag:s31], $0x2800  }
0x58: {  	[sflag:s31] =	ssyncset.done $0x0  }
0x59: {  	[sflag:s31] =	ssyncadd.s32 $0xFFFFD800  }
0x5a: {  	_ =	swait.ge [sflag:s0], $0x50  }
0x5b: {  	p1 =	seq.s32 s15, $0x0;
	[sflag:s0] =	ssyncset.done $0x0  }
0x5c: {  	s17 =	simm.s32 @!p1 $0x9;
	[sflag:s0] =	ssyncadd.s32 $0xFFFFFFB0  }
0x5d: {  	[spmem:s2] =	stream.indirect.scatter.add.f32 [tilespmem:s23], [sflag:$0x7], $0x80, s24, s1, $0xb8;
	[tilespmem:$0x1D980] =	vst v63  }
0x5e: {  	_ =	swait.ge @!p1 [sflag:s17], $0x2800  }
0x5f: {  	[sflag:s17] =	ssyncset.done @!p1 $0x0  }
0x60: {  	s18 =	sadd.s32 $0xFFFEC000, s22;
	[sflag:s17] =	ssyncadd.s32 @!p1 $0xFFFFD800;
	s17 =	sadd.s32 s15, s21  }
0x61: {  	[tilespmem:s29], [sflag:$0x3] =	stream.linear.gather [hbm4b:s18+s3], $0x2800, $0x38;
	[tilespmem:$0x1D980] =	vst v63  }
0x62: {  	s18 =	sadd.s32 $0x280, s17  }
0x63: {  	[tilespmem:s4], [sflag:$0x6] =	stream.linear.gather [hbm4b:s18+s3], $0x50, $0x38;
	[tilespmem:$0x1D980] =	vst v63  }
0x64: {  	v1 =	vld [tilespmem:$0x1B080];
	_ =	sdelay $0x4  }
0x65: {  	(xrf1) =	vunique.msk.u32 $0xffff, v1;
	_ =	sdelay $0xd  }
0x66: {  	_, v2, vm0 =	vpop (xrf1);
	_ =	sdelay $0x3  }
0x67: {  	v2 =	vcvt.s32.f32 v2;
	_ =	sdelay $0x1  }
0x68: {  	[tilespmem:v1+s5+$0x0] =	vst.idx.add.f32.msk vm0, v2  }
0x69: {  	v1 =	vld [tilespmem:$0x1B090];
	_ =	sdelay $0x4  }
0x6a: {  	(xrf1) =	vunique.msk.u32 $0xffff, v1;
	_ =	sdelay $0xd  }
0x6b: {  	_, v2, vm0 =	vpop (xrf1);
	_ =	sdelay $0x3  }
0x6c: {  	v2 =	vcvt.s32.f32 v2;
	_ =	sdelay $0x1  }
0x6d: {  	[tilespmem:v1+s5+$0x0] =	vst.idx.add.f32.msk vm0, v2  }
0x6e: {  	v1 =	vld [tilespmem:$0x1B0A0];
	_ =	sdelay $0x4  }
0x6f: {  	(xrf1) =	vunique.msk.u32 $0xffff, v1;
	_ =	sdelay $0xd  }
0x70: {  	_, v2, vm0 =	vpop (xrf1);
	_ =	sdelay $0x3  }
0x71: {  	v2 =	vcvt.s32.f32 v2;
	_ =	sdelay $0x1  }
0x72: {  	[tilespmem:v1+s5+$0x0] =	vst.idx.add.f32.msk vm0, v2  }
0x73: {  	v1 =	vld [tilespmem:$0x1B0B0];
	_ =	sdelay $0x4  }
0x74: {  	(xrf1) =	vunique.msk.u32 $0xffff, v1;
	_ =	sdelay $0xd  }
0x75: {  	_, v2, vm0 =	vpop (xrf1);
	_ =	sdelay $0x3  }
0x76: {  	v2 =	vcvt.s32.f32 v2;
	_ =	sdelay $0x1  }
0x77: {  	[tilespmem:v1+s5+$0x0] =	vst.idx.add.f32.msk vm0, v2  }
0x78: {  	v1 =	vld [tilespmem:$0x1B0C0];
	_ =	sdelay $0x4  }
0x79: {  	(xrf1) =	vunique.msk.u32 $0xffff, v1;
	_ =	sdelay $0xd  }
0x7a: {  	_, v2, vm0 =	vpop (xrf1);
	_ =	sdelay $0x3  }
0x7b: {  	v2 =	vcvt.s32.f32 v2;
	_ =	sdelay $0x1  }
0x7c: {  	[tilespmem:v1+s5+$0x0] =	vst.idx.add.f32.msk vm0, v2  }
0x7d: {  	_ =	swait.ge [sflag:s6], $0x2800  }
0x7e: {  	[sflag:s6] =	ssyncset.done $0x0  }
0x7f: {  	[sflag:s6] =	ssyncadd.s32 $0xFFFFD800  }
0x80: {  	_ =	swait.ge [sflag:s7], $0x50  }
0x81: {  	[sflag:s7] =	ssyncset.done $0x0  }
0x82: {  	[sflag:s7] =	ssyncadd.s32 $0xFFFFFFB0  }
0x83: {  	[spmem:s2] =	stream.indirect.scatter.add.f32 [tilespmem:s26], [sflag:$0x8], $0x80, s28, s1, $0xb8;
	[tilespmem:$0x1D980] =	vst v63  }
0x84: {  	_ =	swait.ge [sflag:s8], $0x2800  }
0x85: {  	[sflag:s8] =	ssyncset.done $0x0  }
0x86: {  	s18 =	sadd.s32 $0xFFFF6000, s22;
	[sflag:s8] =	ssyncadd.s32 $0xFFFFD800  }
0x87: {  	[tilespmem:s23], [sflag:$0x1] =	stream.linear.gather [hbm4b:s18+s3], $0x2800, $0x38;
	[tilespmem:$0x1D980] =	vst v63  }
0x88: {  	s18 =	sadd.s32 $0x3C0, s17  }
0x89: {  	[tilespmem:s24], [sflag:$0x4] =	stream.linear.gather [hbm4b:s18+s3], $0x50, $0x38;
	[tilespmem:$0x1D980] =	vst v63  }
0x8a: {  	v1 =	vld [tilespmem:$0x1B100];
	_ =	sdelay $0x4  }
0x8b: {  	(xrf1) =	vunique.msk.u32 $0xffff, v1;
	_ =	sdelay $0xd  }
0x8c: {  	_, v2, vm0 =	vpop (xrf1);
	_ =	sdelay $0x3  }
0x8d: {  	v2 =	vcvt.s32.f32 v2;
	_ =	sdelay $0x1  }
0x8e: {  	[tilespmem:v1+s5+$0x0] =	vst.idx.add.f32.msk vm0, v2  }
0x8f: {  	v1 =	vld [tilespmem:$0x1B110];
	_ =	sdelay $0x4  }
0x90: {  	(xrf1) =	vunique.msk.u32 $0xffff, v1;
	_ =	sdelay $0xd  }
0x91: {  	_, v2, vm0 =	vpop (xrf1);
	_ =	sdelay $0x3  }
0x92: {  	v2 =	vcvt.s32.f32 v2;
	_ =	sdelay $0x1  }
0x93: {  	[tilespmem:v1+s5+$0x0] =	vst.idx.add.f32.msk vm0, v2  }
0x94: {  	v1 =	vld [tilespmem:$0x1B120];
	_ =	sdelay $0x4  }
0x95: {  	(xrf1) =	vunique.msk.u32 $0xffff, v1;
	_ =	sdelay $0xd  }
0x96: {  	_, v2, vm0 =	vpop (xrf1);
	_ =	sdelay $0x3  }
0x97: {  	v2 =	vcvt.s32.f32 v2;
	_ =	sdelay $0x1  }
0x98: {  	[tilespmem:v1+s5+$0x0] =	vst.idx.add.f32.msk vm0, v2  }
0x99: {  	v1 =	vld [tilespmem:$0x1B130];
	_ =	sdelay $0x4  }
0x9a: {  	(xrf1) =	vunique.msk.u32 $0xffff, v1;
	_ =	sdelay $0xd  }
0x9b: {  	_, v2, vm0 =	vpop (xrf1);
	_ =	sdelay $0x3  }
0x9c: {  	v2 =	vcvt.s32.f32 v2;
	_ =	sdelay $0x1  }
0x9d: {  	[tilespmem:v1+s5+$0x0] =	vst.idx.add.f32.msk vm0, v2  }
0x9e: {  	v1 =	vld [tilespmem:$0x1B140];
	_ =	sdelay $0x4  }
0x9f: {  	(xrf1) =	vunique.msk.u32 $0xffff, v1;
	_ =	sdelay $0xd  }
0xa0: {  	_, v2, vm0 =	vpop (xrf1);
	_ =	sdelay $0x3  }
0xa1: {  	v2 =	vcvt.s32.f32 v2;
	_ =	sdelay $0x1  }
0xa2: {  	[tilespmem:v1+s5+$0x0] =	vst.idx.add.f32.msk vm0, v2  }
0xa3: {  	_ =	swait.ge [sflag:s10], $0x2800  }
0xa4: {  	[sflag:s10] =	ssyncset.done $0x0  }
0xa5: {  	[sflag:s10] =	ssyncadd.s32 $0xFFFFD800  }
0xa6: {  	_ =	swait.ge [sflag:s11], $0x50  }
0xa7: {  	[sflag:s11] =	ssyncset.done $0x0  }
0xa8: {  	[sflag:s11] =	ssyncadd.s32 $0xFFFFFFB0  }
0xa9: {  	[spmem:s2] =	stream.indirect.scatter.add.f32 [tilespmem:s29], [sflag:$0x9], $0x80, s4, s1, $0xb8;
	[tilespmem:$0x1D980] =	vst v63  }
0xaa: {  	_ =	swait.ge [sflag:s12], $0x2800  }
0xab: {  	[sflag:s12] =	ssyncset.done $0x0  }
0xac: {  	[sflag:s12] =	ssyncadd.s32 $0xFFFFD800  }
0xad: {  	[tilespmem:s26], [sflag:$0x2] =	stream.linear.gather [hbm4b:s22+s3], $0x2800, $0x38;
	[tilespmem:$0x1D980] =	vst v63  }
0xae: {  	s17 =	sadd.s32 $0x500, s17  }
0xaf: {  	[tilespmem:s28], [sflag:$0x5] =	stream.linear.gather [hbm4b:s17+s3], $0x50, $0x38;
	[tilespmem:$0x1D980] =	vst v63  }
0xb0: {  	v1 =	vld [tilespmem:$0x1B180];
	_ =	sdelay $0x4  }
0xb1: {  	(xrf1) =	vunique.msk.u32 $0xffff, v1;
	_ =	sdelay $0xd  }
0xb2: {  	_, v2, vm0 =	vpop (xrf1);
	_ =	sdelay $0x3  }
0xb3: {  	v2 =	vcvt.s32.f32 v2;
	_ =	sdelay $0x1  }
0xb4: {  	[tilespmem:v1+s5+$0x0] =	vst.idx.add.f32.msk vm0, v2  }
0xb5: {  	v1 =	vld [tilespmem:$0x1B190];
	_ =	sdelay $0x4  }
0xb6: {  	(xrf1) =	vunique.msk.u32 $0xffff, v1;
	_ =	sdelay $0xd  }
0xb7: {  	_, v2, vm0 =	vpop (xrf1);
	_ =	sdelay $0x3  }
0xb8: {  	v2 =	vcvt.s32.f32 v2;
	_ =	sdelay $0x1  }
0xb9: {  	[tilespmem:v1+s5+$0x0] =	vst.idx.add.f32.msk vm0, v2  }
0xba: {  	v1 =	vld [tilespmem:$0x1B1A0];
	_ =	sdelay $0x4  }
0xbb: {  	(xrf1) =	vunique.msk.u32 $0xffff, v1;
	_ =	sdelay $0xd  }
0xbc: {  	_, v2, vm0 =	vpop (xrf1);
	_ =	sdelay $0x3  }
0xbd: {  	v2 =	vcvt.s32.f32 v2;
	_ =	sdelay $0x1  }
0xbe: {  	[tilespmem:v1+s5+$0x0] =	vst.idx.add.f32.msk vm0, v2  }
0xbf: {  	v1 =	vld [tilespmem:$0x1B1B0];
	_ =	sdelay $0x4  }
0xc0: {  	(xrf1) =	vunique.msk.u32 $0xffff, v1;
	_ =	sdelay $0xd  }
0xc1: {  	_, v2, vm0 =	vpop (xrf1);
	_ =	sdelay $0x3  }
0xc2: {  	v2 =	vcvt.s32.f32 v2;
	_ =	sdelay $0x1  }
0xc3: {  	[tilespmem:v1+s5+$0x0] =	vst.idx.add.f32.msk vm0, v2  }
0xc4: {  	v1 =	vld [tilespmem:$0x1B1C0];
	_ =	sdelay $0x4  }
0xc5: {  	(xrf1) =	vunique.msk.u32 $0xffff, v1;
	_ =	sdelay $0xd  }
0xc6: {  	s15 =	sadd.s32 $0x3C0, s15;
	_, v2, vm0 =	vpop (xrf1)  }
0xc7: {  	p1 =	sne.s32 s15, $0x99C0  }
.Ltmp1:
0xc8: {  	_ = 	snop;
	(pc) =	sbr.rel @p1 .LBB2_4-.Ltmp1, $3  }
0xc9: {  	_ = 	snop  }
0xca: {  	v2 =	vcvt.s32.f32 v2;
	_ =	sdelay $0x1  }
0xcb: {  	s22 =	sadd.s32 $0x1E000, s22;
	[tilespmem:v1+s5+$0x0] =	vst.idx.add.f32.msk vm0, v2  }
0xcc: {  	_ =	swait.ge [sflag:s31], $0x2800  }
0xcd: {  	[sflag:s31] =	ssyncset.done $0x0  }
0xce: {  	[sflag:s31] =	ssyncadd.s32 $0xFFFFD800  }
0xcf: {  	_ =	swait.ge [sflag:s0], $0x50  }
0xd0: {  	[sflag:s0] =	ssyncset.done $0x0  }
0xd1: {  	[sflag:s0] =	ssyncadd.s32 $0xFFFFFFB0  }
0xd2: {  	[spmem:s2] =	stream.indirect.scatter.add.f32 [tilespmem:s23], [sflag:$0x7], $0x80, s24, s1, $0xb8;
	[tilespmem:$0x1D980] =	vst v63  }
0xd3: {  	v1 =	vld [tilespmem:$0x1B080];
	_ =	sdelay $0x4  }
0xd4: {  	(xrf1) =	vunique.msk.u32 $0xffff, v1;
	_ =	sdelay $0xd  }
0xd5: {  	_, v2, vm0 =	vpop (xrf1);
	_ =	sdelay $0x3  }
0xd6: {  	v2 =	vcvt.s32.f32 v2;
	_ =	sdelay $0x1  }
0xd7: {  	[tilespmem:v1+s5+$0x0] =	vst.idx.add.f32.msk vm0, v2  }
0xd8: {  	v1 =	vld [tilespmem:$0x1B090];
	_ =	sdelay $0x4  }
0xd9: {  	(xrf1) =	vunique.msk.u32 $0xffff, v1;
	_ =	sdelay $0xd  }
0xda: {  	_, v2, vm0 =	vpop (xrf1);
	_ =	sdelay $0x3  }
0xdb: {  	v2 =	vcvt.s32.f32 v2;
	_ =	sdelay $0x1  }
0xdc: {  	[tilespmem:v1+s5+$0x0] =	vst.idx.add.f32.msk vm0, v2  }
0xdd: {  	v1 =	vld [tilespmem:$0x1B0A0];
	_ =	sdelay $0x4  }
0xde: {  	(xrf1) =	vunique.msk.u32 $0xffff, v1;
	_ =	sdelay $0xd  }
0xdf: {  	_, v2, vm0 =	vpop (xrf1);
	_ =	sdelay $0x3  }
0xe0: {  	v2 =	vcvt.s32.f32 v2;
	_ =	sdelay $0x1  }
0xe1: {  	[tilespmem:v1+s5+$0x0] =	vst.idx.add.f32.msk vm0, v2  }
0xe2: {  	v1 =	vld [tilespmem:$0x1B0B0];
	_ =	sdelay $0x4  }
0xe3: {  	(xrf1) =	vunique.msk.u32 $0xffff, v1;
	_ =	sdelay $0xd  }
0xe4: {  	_, v2, vm0 =	vpop (xrf1);
	_ =	sdelay $0x3  }
0xe5: {  	v2 =	vcvt.s32.f32 v2;
	_ =	sdelay $0x1  }
0xe6: {  	[tilespmem:v1+s5+$0x0] =	vst.idx.add.f32.msk vm0, v2  }
0xe7: {  	v1 =	vld [tilespmem:$0x1B0C0];
	_ =	sdelay $0x4  }
0xe8: {  	(xrf1) =	vunique.msk.u32 $0xffff, v1;
	_ =	sdelay $0xd  }
0xe9: {  	_, v2, vm0 =	vpop (xrf1);
	_ =	sdelay $0x3  }
0xea: {  	v2 =	vcvt.s32.f32 v2;
	_ =	sdelay $0x1  }
0xeb: {  	[tilespmem:v1+s5+$0x0] =	vst.idx.add.f32.msk vm0, v2  }
0xec: {  	_ =	swait.ge [sflag:s6], $0x2800  }
0xed: {  	[sflag:s6] =	ssyncset.done $0x0  }
0xee: {  	[sflag:s6] =	ssyncadd.s32 $0xFFFFD800  }
0xef: {  	_ =	swait.ge [sflag:s7], $0x50  }
0xf0: {  	[sflag:s7] =	ssyncset.done $0x0  }
0xf1: {  	[sflag:s7] =	ssyncadd.s32 $0xFFFFFFB0  }
0xf2: {  	[spmem:s2] =	stream.indirect.scatter.add.f32 [tilespmem:s26], [sflag:$0x8], $0x80, s28, s1, $0xb8;
	[tilespmem:$0x1D980] =	vst v63  }
0xf3: {  	v1 =	vld [tilespmem:$0x1B100];
	_ =	sdelay $0x4  }
0xf4: {  	(xrf1) =	vunique.msk.u32 $0xffff, v1;
	_ =	sdelay $0xd  }
0xf5: {  	_, v2, vm0 =	vpop (xrf1);
	_ =	sdelay $0x3  }
0xf6: {  	v2 =	vcvt.s32.f32 v2;
	_ =	sdelay $0x1  }
0xf7: {  	[tilespmem:v1+s5+$0x0] =	vst.idx.add.f32.msk vm0, v2  }
0xf8: {  	v1 =	vld [tilespmem:$0x1B110];
	_ =	sdelay $0x4  }
0xf9: {  	(xrf1) =	vunique.msk.u32 $0xffff, v1;
	_ =	sdelay $0xd  }
0xfa: {  	_, v2, vm0 =	vpop (xrf1);
	_ =	sdelay $0x3  }
0xfb: {  	v2 =	vcvt.s32.f32 v2;
	_ =	sdelay $0x1  }
0xfc: {  	[tilespmem:v1+s5+$0x0] =	vst.idx.add.f32.msk vm0, v2  }
0xfd: {  	v1 =	vld [tilespmem:$0x1B120];
	_ =	sdelay $0x4  }
0xfe: {  	(xrf1) =	vunique.msk.u32 $0xffff, v1;
	_ =	sdelay $0xd  }
0xff: {  	_, v2, vm0 =	vpop (xrf1);
	_ =	sdelay $0x3  }
0x100: {  	v2 =	vcvt.s32.f32 v2;
	_ =	sdelay $0x1  }
0x101: {  	[tilespmem:v1+s5+$0x0] =	vst.idx.add.f32.msk vm0, v2  }
0x102: {  	v1 =	vld [tilespmem:$0x1B130];
	_ =	sdelay $0x4  }
0x103: {  	(xrf1) =	vunique.msk.u32 $0xffff, v1;
	_ =	sdelay $0xd  }
0x104: {  	_, v2, vm0 =	vpop (xrf1);
	_ =	sdelay $0x3  }
0x105: {  	v2 =	vcvt.s32.f32 v2;
	_ =	sdelay $0x1  }
0x106: {  	[tilespmem:v1+s5+$0x0] =	vst.idx.add.f32.msk vm0, v2  }
0x107: {  	v1 =	vld [tilespmem:$0x1B140];
	_ =	sdelay $0x4  }
0x108: {  	(xrf1) =	vunique.msk.u32 $0xffff, v1;
	_ =	sdelay $0xd  }
0x109: {  	_, v2, vm0 =	vpop (xrf1);
	_ =	sdelay $0x3  }
0x10a: {  	v2 =	vcvt.s32.f32 v2;
	_ =	sdelay $0x1  }
0x10b: {  	[tilespmem:v1+s5+$0x0] =	vst.idx.add.f32.msk vm0, v2  }
0x10c: {  	_ =	swait.ge [sflag:s13], $0x2800  }
0x10d: {  	[sflag:s13] =	ssyncset.done $0x0  }
0x10e: {  	[sflag:s13] =	ssyncadd.s32 $0xFFFFD800  }
0x10f: {  	_ =	swait.ge [sflag:s8], $0x2800  }
0x110: {  	[sflag:s8] =	ssyncset.done $0x0  }
0x111: {  	[sflag:s8] =	ssyncadd.s32 $0xFFFFD800  }
0x112: {  	_ =	swait.ge [sflag:s12], $0x2800  }
0x113: {  	[sflag:s12] =	ssyncset.done $0x0  }
0x114: {  	s15 =	stileid.u32;
	[sflag:s12] =	ssyncadd.s32 $0xFFFFD800  }
0x115: {  	s15 =	sshll.u32 s15, $0x6;
	[bflag:$0x0] =	sbarrier.arrive $0xFFFF  }
0x116: {  	s17 =	sshrl.u32 s9, $0x3;
	s15 =	sor.u32 $0x1C0A, s15;
	s18 =	rddreg [dreg:$0x11]  }
0x117: {  	[hbm:s18], [sflag:s15] =	dma.local [spmem:s17], $0x2700  }
0x118: {  	_ =	swait.ge [sflag:s30], $0x2700  }
0x119: {  	[sflag:s30] =	ssyncset.done $0x0  }
0x11a: {  	[sflag:s30] =	ssyncadd.s32 $0xFFFFD900  }
0x11b: {  	[hbm:s19], [sflag:s15] =	dma.local @!p0 [spmem:s25], $0x100  }
0x11c: {  	s15 =	simm.s32 @!p0 $0xA  }
0x11d: {  	s14 =	sadd.s32 $0x1, s14;
	_ =	swait.ge @!p0 [sflag:s15], $0x100  }
0x11e: {  	p1 =	sne.s32 s14, s20;
	[sflag:s15] =	ssyncset.done @!p0 $0x0  }
.Ltmp2:
0x11f: {  	s22 =	rddreg [dreg:$0x12];
	[sflag:s15] =	ssyncadd.s32 @!p0 $0xFFFFFF00;
	(pc) =	sbr.rel @p1 .LBB2_1-.Ltmp2, $4  }
0x120: {  	[hbm4b:s22+s3] =	stream.linear.scatter [tilespmem:s5], [sflag:$0xA], $0x2710, $0x38;
	[tilespmem:$0x1D980] =	vst v63  }
0x121: {  	_ =	swait.ge [sflag:s30], $0x2710  }
0x122: {  	[sflag:s30] =	ssyncset.done $0x0  }
0x123: {  	[sflag:s30] =	ssyncadd.s32 $0xFFFFD8F0  }
0x124: {  	_ =	sfence.sel $0x180000  }
0x125: {  	[bflag:$0x0] =	sbarrier.arrive $0xFFFF  }
0x126: {  	_ =	strace $0x90000047  }
0x127: {  	s0 =	stileid.u32;
	[bflag:$0x2] =	sbarrier.arrive $0xFFFF  }
0x128: {  	p0 =	sne.s32 s0, $0x0;
	s0 =	rddreg [dreg:$0x5]  }
0x129: {  	s0 =	sadd.s32 @!p0 $0x100000, s0  }
0x12a: {  	[sflag:s0] =	ssyncadd.tile.s32 @!p0 $0x1;
	_ =	shalt  }
.Lfunc_end2:
_tile_overlayer_lowered:
.L_overlay_start_2:
0x12b: {  	(tag) =	ssettag $0x2  }
0x12c: {  	s0 =	rddreg [dreg:$0x0];
	s2 =	stileid.u32  }
0x12d: {  	s1 =	rddreg [dreg:$0x1];
	p0 =	sne.s32 s2, $0x0  }
0x12e: {  	s3 =	rddreg [dreg:$0x2];
	[bflag:$0x3] =	sbarrier.arrive $0xFFFF;
	s2 =	simm.s32 @!p0 $0x1C0A  }
0x12f: {  	[timem:s3], [sflag:s2] =	dma.local @!p0 [hbm:s0], s1  }
0x130: {  	s0 =	simm.s32 @!p0 $0xA  }
0x131: {  	_ =	swait.ge @!p0 [sflag:s0], s1  }
0x132: {  	s1 =	ssub.s32 @!p0 $0x0, s1;
	[sflag:s0] =	ssyncset.done @!p0 $0x0  }
0x133: {  	[sflag:s0] =	ssyncadd.s32 @!p0 s1  }
0x134: {  	[bflag:$0x3] =	sbarrier.arrive $0xFFFF  }
0x135: {  	_ =	shalt  }

</sc_bundles>
